<compile_context>
chip_gen: v7x
topology: tpu7x:2x2x1
jax: 0.10.2.dev20260603
libtpu: 0.0.44.dev20260713+nightly
codegen_flags: <defaults>
</compile_context>

<pallas_src>
import functools

import jax
import jax.numpy as jnp
from jax import lax
from jax.experimental import pallas as pl
from jax.experimental.pallas import tpu as pltpu
from jax.experimental.pallas import tpu_sc as plsc

NUM_MOD = 8
D_MODEL = 2048
NUM_TOKENS = 4 * 8192
NC, NS = 2, 16
NW = NC * NS
B_PER_W = NUM_TOKENS // NW
GROUP = 16
N_GROUPS = B_PER_W // GROUP
LAG_P = 2


def _lookup_body(idx_hbm, table_hbm, out_hbm, idx_v, table_v, sem):
    sid = lax.axis_index("s")
    wid = sid * NC + lax.axis_index("c")
    base = wid * B_PER_W
    pltpu.sync_copy(idx_hbm.at[pl.ds(base, B_PER_W)], idx_v)
    pltpu.sync_copy(table_hbm, table_v)

    def group(g, carry):
        off = g * GROUP
        vec = idx_v[pl.ds(off, GROUP)]
        for u in range(GROUP):
            i = vec[u]
            pltpu.async_copy(
                table_v.at[pl.ds(i, 1)], out_hbm.at[pl.ds(base + off + u, 1)], sem
            )

        @pl.when(g > 0)
        def _drain():
            pltpu.make_async_copy(
                out_hbm.at[pl.ds(base, GROUP)], out_hbm.at[pl.ds(base, GROUP)], sem
            ).wait()

        return carry

    lax.fori_loop(0, N_GROUPS, group, 0)
    pltpu.make_async_copy(
        out_hbm.at[pl.ds(base, GROUP)], out_hbm.at[pl.ds(base, GROUP)], sem
    ).wait()


_lookup = functools.partial(
    pl.kernel,
    out_type=jax.ShapeDtypeStruct((NUM_TOKENS, D_MODEL), jnp.float32),
    mesh=plsc.VectorSubcoreMesh(core_axis_name="c", subcore_axis_name="s"),
    scratch_types=[
        pltpu.VMEM((B_PER_W,), jnp.int32),
        pltpu.VMEM((NUM_MOD, D_MODEL), jnp.float32),
        pltpu.SemaphoreType.DMA,
    ],
)(_lookup_body)


def kernel(modality_indices, table):
    idx = modality_indices.reshape(-1).astype(jnp.int32)
    out = _lookup(idx, table)
    return out.reshape(*modality_indices.shape, table.shape[1])

# --- scband reference (transcript-rebuilt; emitter-appended) ---
"""Pipeline reference for scband-modality-embedding-10711648436474 (READ-ONLY COPY).

The authoritative reference and input builder live on the scoring server;
editing this copy changes nothing except your own understanding.
"""

import jax, jax.numpy as jnp
import numpy as np

NUM_MODALITIES = 8
D_MODEL = 2048

def setup_inputs(seed: int = 0) -> dict:
    key = jax.random.key(seed)
    k_idx, k_tab = jax.random.split(key)
    modality_indices = jax.random.randint(k_idx, (4, 8192), 0, NUM_MODALITIES, dtype=jnp.int64 if jax.config.jax_enable_x64 else jnp.int32)
    # nn.Embedding default init: N(0, 1)
    table = jax.random.normal(k_tab, (NUM_MODALITIES, D_MODEL), dtype=jnp.float32)
    return {"modality_indices": modality_indices, "table": table}

def reference(modality_indices, table):
    # Faithful to nn.Embedding forward: gather rows of the table by index.
    return jnp.take(table, modality_indices, axis=0)

if __name__ == "__main__":
    import jax
    _d = setup_inputs()
    print(jax.jit(kernel)(*tuple(_d.values())))

</pallas_src>

<mosaic_0001>
#map = affine_map<(d0, d1) -> (0)>
#map1 = affine_map<(d0, d1) -> (0, 0)>
module attributes {stable_mosaic.version = 14 : i64} {
  func.func @_lookup_body(%arg0: i32, %arg1: i32, %arg2: memref<32768xi32, #tpu.memory_space<hbm>>, %arg3: memref<8x2048xf32, #tpu.memory_space<hbm>>, %arg4: memref<32768x2048xf32, #tpu.memory_space<hbm>>, %arg5: memref<1024xi32, #tpu.memory_space<vmem>>, %arg6: memref<8x2048xf32, #tpu.memory_space<vmem>>, %arg7: memref<!tpu.dma_semaphore, #tpu.memory_space<semaphore_mem>>) attributes {dimension_semantics = [#tpu.dimension_semantics<core_parallel>, #tpu.dimension_semantics<subcore_parallel>], iteration_bounds = array<i64: 2, 16>, scalar_prefetch = 0 : i64, scratch_operands = 3 : i64, tpu.core_type = #tpu.core_type<sc_vector_subcore>, window_params = [{transform_indices = #map}, {transform_indices = #map1}, {transform_indices = #map1}]} {
    %mul3A = arith.constant 2 : i32
    %mul3A_0 = arith.muli %arg1, %mul3A : i32
    %add3A = arith.addi %mul3A_0, %arg0 : i32
    %mul3A_1 = arith.constant 1024 : i32
    %mul3A_2 = arith.muli %add3A, %mul3A_1 : i32
    "tpu.region"() ({
      %run_scoped3A = tpu.sem_alloc : memref<!tpu.dma_semaphore, #tpu.memory_space<semaphore_mem>>
      %dma_start3A = tpu.memref_slice %arg2[%mul3A_2] : memref<32768xi32, #tpu.memory_space<hbm>> -> memref<1024xi32, #tpu.memory_space<hbm>>
      %dma_start3A_11 = tpu.memref_slice %arg2[%mul3A_2] : memref<32768xi32, #tpu.memory_space<hbm>> -> memref<1024xi32, #tpu.memory_space<hbm>>
      tpu.enqueue_dma source(%dma_start3A_11 : memref<1024xi32, #tpu.memory_space<hbm>>) target(%arg5 : memref<1024xi32, #tpu.memory_space<vmem>>) target_semaphore(%run_scoped3A : memref<!tpu.dma_semaphore, #tpu.memory_space<semaphore_mem>>)
      %dma_wait3A_12 = tpu.memref_slice %arg2[%mul3A_2] : memref<32768xi32, #tpu.memory_space<hbm>> -> memref<1024xi32, #tpu.memory_space<hbm>>
      %dma_wait3A_13 = tpu.memref_slice %arg2[%mul3A_2] : memref<32768xi32, #tpu.memory_space<hbm>> -> memref<1024xi32, #tpu.memory_space<hbm>>
      tpu.wait_dma2 semaphore(%run_scoped3A : memref<!tpu.dma_semaphore, #tpu.memory_space<semaphore_mem>>) src(%dma_wait3A_13 : memref<1024xi32, #tpu.memory_space<hbm>>) dst(%arg5 : memref<1024xi32, #tpu.memory_space<vmem>>)
      tpu.yield
    }) : () -> ()
    "tpu.region"() ({
      %run_scoped3A = tpu.sem_alloc : memref<!tpu.dma_semaphore, #tpu.memory_space<semaphore_mem>>
      tpu.enqueue_dma source(%arg3 : memref<8x2048xf32, #tpu.memory_space<hbm>>) target(%arg6 : memref<8x2048xf32, #tpu.memory_space<vmem>>) target_semaphore(%run_scoped3A : memref<!tpu.dma_semaphore, #tpu.memory_space<semaphore_mem>>)
      tpu.wait_dma2 semaphore(%run_scoped3A : memref<!tpu.dma_semaphore, #tpu.memory_space<semaphore_mem>>) src(%arg3 : memref<8x2048xf32, #tpu.memory_space<hbm>>) dst(%arg6 : memref<8x2048xf32, #tpu.memory_space<vmem>>)
      tpu.yield
    }) : () -> ()
    %scan3A = arith.constant 0 : i32
    %scan3A_3 = arith.constant 0 : i32
    %scan3A_4 = arith.constant 64 : i32
    %scan3A_5 = arith.addi %scan3A_3, %scan3A_4 : i32
    %scan3A_6 = arith.constant 1 : i32
    scf.for %scan3A_11 = %scan3A_3 to %scan3A_5 step %scan3A_6  : i32 {
      %mul3A_12 = arith.constant 16 : i32
      %mul3A_13 = arith.muli %scan3A_11, %mul3A_12 : i32
      %get3A = arith.index_cast %mul3A_13 : i32 to index
      %get3A_14 = tpu.vector_load %arg5[%get3A] {strides = array<i32>} : memref<1024xi32, #tpu.memory_space<vmem>>, vector<16xi32>,
      %get3A_15 = vector.shape_cast %get3A_14 : vector<16xi32> to vector<16xi32>
      %slice3A = vector.extract_strided_slice %get3A_15 {offsets = [0], sizes = [1], strides = [1]} : vector<16xi32> to vector<1xi32>
      %squeeze3A = vector.extract %slice3A[0] : i32 from vector<1xi32>
      %add3A_16 = arith.addi %mul3A_2, %mul3A_13 : i32
      %add3A_17 = arith.constant 0 : i32
      %add3A_18 = arith.addi %add3A_16, %add3A_17 : i32
      %dma_start3A = arith.constant 0 : i32
      %dma_start3A_19 = tpu.memref_slice %arg6[%squeeze3A, %dma_start3A] : memref<8x2048xf32, #tpu.memory_space<vmem>> -> memref<1x2048xf32, #tpu.memory_space<vmem>>
      %dma_start3A_20 = arith.constant 0 : i32
      %dma_start3A_21 = tpu.memref_slice %arg4[%add3A_18, %dma_start3A_20] : memref<32768x2048xf32, #tpu.memory_space<hbm>> -> memref<1x2048xf32, #tpu.memory_space<hbm>>
      %dma_start3A_22 = arith.constant 0 : i32
      %dma_start3A_23 = tpu.memref_slice %arg4[%add3A_18, %dma_start3A_22] : memref<32768x2048xf32, #tpu.memory_space<hbm>> -> memref<1x2048xf32, #tpu.memory_space<hbm>>
      %dma_start3A_24 = arith.constant 0 : i32
      %dma_start3A_25 = tpu.memref_slice %arg6[%squeeze3A, %dma_start3A_24] : memref<8x2048xf32, #tpu.memory_space<vmem>> -> memref<1x2048xf32, #tpu.memory_space<vmem>>
      tpu.enqueue_dma source(%dma_start3A_25 : memref<1x2048xf32, #tpu.memory_space<vmem>>) target(%dma_start3A_23 : memref<1x2048xf32, #tpu.memory_space<hbm>>) target_semaphore(%arg7 : memref<!tpu.dma_semaphore, #tpu.memory_space<semaphore_mem>>)
      %slice3A_26 = vector.extract_strided_slice %get3A_15 {offsets = [1], sizes = [1], strides = [1]} : vector<16xi32> to vector<1xi32>
      %squeeze3A_27 = vector.extract %slice3A_26[0] : i32 from vector<1xi32>
      %add3A_28 = arith.addi %mul3A_2, %mul3A_13 : i32
      %add3A_29 = arith.constant 1 : i32
      %add3A_30 = arith.addi %add3A_28, %add3A_29 : i32
      %dma_start3A_31 = arith.constant 0 : i32
      %dma_start3A_32 = tpu.memref_slice %arg6[%squeeze3A_27, %dma_start3A_31] : memref<8x2048xf32, #tpu.memory_space<vmem>> -> memref<1x2048xf32, #tpu.memory_space<vmem>>
      %dma_start3A_33 = arith.constant 0 : i32
      %dma_start3A_34 = tpu.memref_slice %arg4[%add3A_30, %dma_start3A_33] : memref<32768x2048xf32, #tpu.memory_space<hbm>> -> memref<1x2048xf32, #tpu.memory_space<hbm>>
      %dma_start3A_35 = arith.constant 0 : i32
      %dma_start3A_36 = tpu.memref_slice %arg4[%add3A_30, %dma_start3A_35] : memref<32768x2048xf32, #tpu.memory_space<hbm>> -> memref<1x2048xf32, #tpu.memory_space<hbm>>
      %dma_start3A_37 = arith.constant 0 : i32
      %dma_start3A_38 = tpu.memref_slice %arg6[%squeeze3A_27, %dma_start3A_37] : memref<8x2048xf32, #tpu.memory_space<vmem>> -> memref<1x2048xf32, #tpu.memory_space<vmem>>
      tpu.enqueue_dma source(%dma_start3A_38 : memref<1x2048xf32, #tpu.memory_space<vmem>>) target(%dma_start3A_36 : memref<1x2048xf32, #tpu.memory_space<hbm>>) target_semaphore(%arg7 : memref<!tpu.dma_semaphore, #tpu.memory_space<semaphore_mem>>)
      %slice3A_39 = vector.extract_strided_slice %get3A_15 {offsets = [2], sizes = [1], strides = [1]} : vector<16xi32> to vector<1xi32>
      %squeeze3A_40 = vector.extract %slice3A_39[0] : i32 from vector<1xi32>
      %add3A_41 = arith.addi %mul3A_2, %mul3A_13 : i32
      %add3A_42 = arith.constant 2 : i32
      %add3A_43 = arith.addi %add3A_41, %add3A_42 : i32
      %dma_start3A_44 = arith.constant 0 : i32
      %dma_start3A_45 = tpu.memref_slice %arg6[%squeeze3A_40, %dma_start3A_44] : memref<8x2048xf32, #tpu.memory_space<vmem>> -> memref<1x2048xf32, #tpu.memory_space<vmem>>
      %dma_start3A_46 = arith.constant 0 : i32
      %dma_start3A_47 = tpu.memref_slice %arg4[%add3A_43, %dma_start3A_46] : memref<32768x2048xf32, #tpu.memory_space<hbm>> -> memref<1x2048xf32, #tpu.memory_space<hbm>>
      %dma_start3A_48 = arith.constant 0 : i32
      %dma_start3A_49 = tpu.memref_slice %arg4[%add3A_43, %dma_start3A_48] : memref<32768x2048xf32, #tpu.memory_space<hbm>> -> memref<1x2048xf32, #tpu.memory_space<hbm>>
      %dma_start3A_50 = arith.constant 0 : i32
      %dma_start3A_51 = tpu.memref_slice %arg6[%squeeze3A_40, %dma_start3A_50] : memref<8x2048xf32, #tpu.memory_space<vmem>> -> memref<1x2048xf32, #tpu.memory_space<vmem>>
      tpu.enqueue_dma source(%dma_start3A_51 : memref<1x2048xf32, #tpu.memory_space<vmem>>) target(%dma_start3A_49 : memref<1x2048xf32, #tpu.memory_space<hbm>>) target_semaphore(%arg7 : memref<!tpu.dma_semaphore, #tpu.memory_space<semaphore_mem>>)
      %slice3A_52 = vector.extract_strided_slice %get3A_15 {offsets = [3], sizes = [1], strides = [1]} : vector<16xi32> to vector<1xi32>
      %squeeze3A_53 = vector.extract %slice3A_52[0] : i32 from vector<1xi32>
      %add3A_54 = arith.addi %mul3A_2, %mul3A_13 : i32
      %add3A_55 = arith.constant 3 : i32
      %add3A_56 = arith.addi %add3A_54, %add3A_55 : i32
      %dma_start3A_57 = arith.constant 0 : i32
      %dma_start3A_58 = tpu.memref_slice %arg6[%squeeze3A_53, %dma_start3A_57] : memref<8x2048xf32, #tpu.memory_space<vmem>> -> memref<1x2048xf32, #tpu.memory_space<vmem>>
      %dma_start3A_59 = arith.constant 0 : i32
      %dma_start3A_60 = tpu.memref_slice %arg4[%add3A_56, %dma_start3A_59] : memref<32768x2048xf32, #tpu.memory_space<hbm>> -> memref<1x2048xf32, #tpu.memory_space<hbm>>
      %dma_start3A_61 = arith.constant 0 : i32
      %dma_start3A_62 = tpu.memref_slice %arg4[%add3A_56, %dma_start3A_61] : memref<32768x2048xf32, #tpu.memory_space<hbm>> -> memref<1x2048xf32, #tpu.memory_space<hbm>>
      %dma_start3A_63 = arith.constant 0 : i32
      %dma_start3A_64 = tpu.memref_slice %arg6[%squeeze3A_53, %dma_start3A_63] : memref<8x2048xf32, #tpu.memory_space<vmem>> -> memref<1x2048xf32, #tpu.memory_space<vmem>>
      tpu.enqueue_dma source(%dma_start3A_64 : memref<1x2048xf32, #tpu.memory_space<vmem>>) target(%dma_start3A_62 : memref<1x2048xf32, #tpu.memory_space<hbm>>) target_semaphore(%arg7 : memref<!tpu.dma_semaphore, #tpu.memory_space<semaphore_mem>>)
      %slice3A_65 = vector.extract_strided_slice %get3A_15 {offsets = [4], sizes = [1], strides = [1]} : vector<16xi32> to vector<1xi32>
      %squeeze3A_66 = vector.extract %slice3A_65[0] : i32 from vector<1xi32>
      %add3A_67 = arith.addi %mul3A_2, %mul3A_13 : i32
      %add3A_68 = arith.constant 4 : i32
      %add3A_69 = arith.addi %add3A_67, %add3A_68 : i32
      %dma_start3A_70 = arith.constant 0 : i32
      %dma_start3A_71 = tpu.memref_slice %arg6[%squeeze3A_66, %dma_start3A_70] : memref<8x2048xf32, #tpu.memory_space<vmem>> -> memref<1x2048xf32, #tpu.memory_space<vmem>>
      %dma_start3A_72 = arith.constant 0 : i32
      %dma_start3A_73 = tpu.memref_slice %arg4[%add3A_69, %dma_start3A_72] : memref<32768x2048xf32, #tpu.memory_space<hbm>> -> memref<1x2048xf32, #tpu.memory_space<hbm>>
      %dma_start3A_74 = arith.constant 0 : i32
      %dma_start3A_75 = tpu.memref_slice %arg4[%add3A_69, %dma_start3A_74] : memref<32768x2048xf32, #tpu.memory_space<hbm>> -> memref<1x2048xf32, #tpu.memory_space<hbm>>
      %dma_start3A_76 = arith.constant 0 : i32
      %dma_start3A_77 = tpu.memref_slice %arg6[%squeeze3A_66, %dma_start3A_76] : memref<8x2048xf32, #tpu.memory_space<vmem>> -> memref<1x2048xf32, #tpu.memory_space<vmem>>
      tpu.enqueue_dma source(%dma_start3A_77 : memref<1x2048xf32, #tpu.memory_space<vmem>>) target(%dma_start3A_75 : memref<1x2048xf32, #tpu.memory_space<hbm>>) target_semaphore(%arg7 : memref<!tpu.dma_semaphore, #tpu.memory_space<semaphore_mem>>)
      %slice3A_78 = vector.extract_strided_slice %get3A_15 {offsets = [5], sizes = [1], strides = [1]} : vector<16xi32> to vector<1xi32>
      %squeeze3A_79 = vector.extract %slice3A_78[0] : i32 from vector<1xi32>
      %add3A_80 = arith.addi %mul3A_2, %mul3A_13 : i32
      %add3A_81 = arith.constant 5 : i32
      %add3A_82 = arith.addi %add3A_80, %add3A_81 : i32
      %dma_start3A_83 = arith.constant 0 : i32
      %dma_start3A_84 = tpu.memref_slice %arg6[%squeeze3A_79, %dma_start3A_83] : memref<8x2048xf32, #tpu.memory_space<vmem>> -> memref<1x2048xf32, #tpu.memory_space<vmem>>
      %dma_start3A_85 = arith.constant 0 : i32
      %dma_start3A_86 = tpu.memref_slice %arg4[%add3A_82, %dma_start3A_85] : memref<32768x2048xf32, #tpu.memory_space<hbm>> -> memref<1x2048xf32, #tpu.memory_space<hbm>>
      %dma_start3A_87 = arith.constant 0 : i32
      %dma_start3A_88 = tpu.memref_slice %arg4[%add3A_82, %dma_start3A_87] : memref<32768x2048xf32, #tpu.memory_space<hbm>> -> memref<1x2048xf32, #tpu.memory_space<hbm>>
      %dma_start3A_89 = arith.constant 0 : i32
      %dma_start3A_90 = tpu.memref_slice %arg6[%squeeze3A_79, %dma_start3A_89] : memref<8x2048xf32, #tpu.memory_space<vmem>> -> memref<1x2048xf32, #tpu.memory_space<vmem>>
      tpu.enqueue_dma source(%dma_start3A_90 : memref<1x2048xf32, #tpu.memory_space<vmem>>) target(%dma_start3A_88 : memref<1x2048xf32, #tpu.memory_space<hbm>>) target_semaphore(%arg7 : memref<!tpu.dma_semaphore, #tpu.memory_space<semaphore_mem>>)
      %slice3A_91 = vector.extract_strided_slice %get3A_15 {offsets = [6], sizes = [1], strides = [1]} : vector<16xi32> to vector<1xi32>
      %squeeze3A_92 = vector.extract %slice3A_91[0] : i32 from vector<1xi32>
      %add3A_93 = arith.addi %mul3A_2, %mul3A_13 : i32
      %add3A_94 = arith.constant 6 : i32
      %add3A_95 = arith.addi %add3A_93, %add3A_94 : i32
      %dma_start3A_96 = arith.constant 0 : i32
      %dma_start3A_97 = tpu.memref_slice %arg6[%squeeze3A_92, %dma_start3A_96] : memref<8x2048xf32, #tpu.memory_space<vmem>> -> memref<1x2048xf32, #tpu.memory_space<vmem>>
      %dma_start3A_98 = arith.constant 0 : i32
      %dma_start3A_99 = tpu.memref_slice %arg4[%add3A_95, %dma_start3A_98] : memref<32768x2048xf32, #tpu.memory_space<hbm>> -> memref<1x2048xf32, #tpu.memory_space<hbm>>
      %dma_start3A_100 = arith.constant 0 : i32
      %dma_start3A_101 = tpu.memref_slice %arg4[%add3A_95, %dma_start3A_100] : memref<32768x2048xf32, #tpu.memory_space<hbm>> -> memref<1x2048xf32, #tpu.memory_space<hbm>>
      %dma_start3A_102 = arith.constant 0 : i32
      %dma_start3A_103 = tpu.memref_slice %arg6[%squeeze3A_92, %dma_start3A_102] : memref<8x2048xf32, #tpu.memory_space<vmem>> -> memref<1x2048xf32, #tpu.memory_space<vmem>>
      tpu.enqueue_dma source(%dma_start3A_103 : memref<1x2048xf32, #tpu.memory_space<vmem>>) target(%dma_start3A_101 : memref<1x2048xf32, #tpu.memory_space<hbm>>) target_semaphore(%arg7 : memref<!tpu.dma_semaphore, #tpu.memory_space<semaphore_mem>>)
      %slice3A_104 = vector.extract_strided_slice %get3A_15 {offsets = [7], sizes = [1], strides = [1]} : vector<16xi32> to vector<1xi32>
      %squeeze3A_105 = vector.extract %slice3A_104[0] : i32 from vector<1xi32>
      %add3A_106 = arith.addi %mul3A_2, %mul3A_13 : i32
      %add3A_107 = arith.constant 7 : i32
      %add3A_108 = arith.addi %add3A_106, %add3A_107 : i32
      %dma_start3A_109 = arith.constant 0 : i32
      %dma_start3A_110 = tpu.memref_slice %arg6[%squeeze3A_105, %dma_start3A_109] : memref<8x2048xf32, #tpu.memory_space<vmem>> -> memref<1x2048xf32, #tpu.memory_space<vmem>>
      %dma_start3A_111 = arith.constant 0 : i32
      %dma_start3A_112 = tpu.memref_slice %arg4[%add3A_108, %dma_start3A_111] : memref<32768x2048xf32, #tpu.memory_space<hbm>> -> memref<1x2048xf32, #tpu.memory_space<hbm>>
      %dma_start3A_113 = arith.constant 0 : i32
      %dma_start3A_114 = tpu.memref_slice %arg4[%add3A_108, %dma_start3A_113] : memref<32768x2048xf32, #tpu.memory_space<hbm>> -> memref<1x2048xf32, #tpu.memory_space<hbm>>
      %dma_start3A_115 = arith.constant 0 : i32
      %dma_start3A_116 = tpu.memref_slice %arg6[%squeeze3A_105, %dma_start3A_115] : memref<8x2048xf32, #tpu.memory_space<vmem>> -> memref<1x2048xf32, #tpu.memory_space<vmem>>
      tpu.enqueue_dma source(%dma_start3A_116 : memref<1x2048xf32, #tpu.memory_space<vmem>>) target(%dma_start3A_114 : memref<1x2048xf32, #tpu.memory_space<hbm>>) target_semaphore(%arg7 : memref<!tpu.dma_semaphore, #tpu.memory_space<semaphore_mem>>)
      %slice3A_117 = vector.extract_strided_slice %get3A_15 {offsets = [8], sizes = [1], strides = [1]} : vector<16xi32> to vector<1xi32>
      %squeeze3A_118 = vector.extract %slice3A_117[0] : i32 from vector<1xi32>
      %add3A_119 = arith.addi %mul3A_2, %mul3A_13 : i32
      %add3A_120 = arith.constant 8 : i32
      %add3A_121 = arith.addi %add3A_119, %add3A_120 : i32
      %dma_start3A_122 = arith.constant 0 : i32
      %dma_start3A_123 = tpu.memref_slice %arg6[%squeeze3A_118, %dma_start3A_122] : memref<8x2048xf32, #tpu.memory_space<vmem>> -> memref<1x2048xf32, #tpu.memory_space<vmem>>
      %dma_start3A_124 = arith.constant 0 : i32
      %dma_start3A_125 = tpu.memref_slice %arg4[%add3A_121, %dma_start3A_124] : memref<32768x2048xf32, #tpu.memory_space<hbm>> -> memref<1x2048xf32, #tpu.memory_space<hbm>>
      %dma_start3A_126 = arith.constant 0 : i32
      %dma_start3A_127 = tpu.memref_slice %arg4[%add3A_121, %dma_start3A_126] : memref<32768x2048xf32, #tpu.memory_space<hbm>> -> memref<1x2048xf32, #tpu.memory_space<hbm>>
      %dma_start3A_128 = arith.constant 0 : i32
      %dma_start3A_129 = tpu.memref_slice %arg6[%squeeze3A_118, %dma_start3A_128] : memref<8x2048xf32, #tpu.memory_space<vmem>> -> memref<1x2048xf32, #tpu.memory_space<vmem>>
      tpu.enqueue_dma source(%dma_start3A_129 : memref<1x2048xf32, #tpu.memory_space<vmem>>) target(%dma_start3A_127 : memref<1x2048xf32, #tpu.memory_space<hbm>>) target_semaphore(%arg7 : memref<!tpu.dma_semaphore, #tpu.memory_space<semaphore_mem>>)
      %slice3A_130 = vector.extract_strided_slice %get3A_15 {offsets = [9], sizes = [1], strides = [1]} : vector<16xi32> to vector<1xi32>
      %squeeze3A_131 = vector.extract %slice3A_130[0] : i32 from vector<1xi32>
      %add3A_132 = arith.addi %mul3A_2, %mul3A_13 : i32
      %add3A_133 = arith.constant 9 : i32
      %add3A_134 = arith.addi %add3A_132, %add3A_133 : i32
      %dma_start3A_135 = arith.constant 0 : i32
      %dma_start3A_136 = tpu.memref_slice %arg6[%squeeze3A_131, %dma_start3A_135] : memref<8x2048xf32, #tpu.memory_space<vmem>> -> memref<1x2048xf32, #tpu.memory_space<vmem>>
      %dma_start3A_137 = arith.constant 0 : i32
      %dma_start3A_138 = tpu.memref_slice %arg4[%add3A_134, %dma_start3A_137] : memref<32768x2048xf32, #tpu.memory_space<hbm>> -> memref<1x2048xf32, #tpu.memory_space<hbm>>
      %dma_start3A_139 = arith.constant 0 : i32
      %dma_start3A_140 = tpu.memref_slice %arg4[%add3A_134, %dma_start3A_139] : memref<32768x2048xf32, #tpu.memory_space<hbm>> -> memref<1x2048xf32, #tpu.memory_space<hbm>>
      %dma_start3A_141 = arith.constant 0 : i32
      %dma_start3A_142 = tpu.memref_slice %arg6[%squeeze3A_131, %dma_start3A_141] : memref<8x2048xf32, #tpu.memory_space<vmem>> -> memref<1x2048xf32, #tpu.memory_space<vmem>>
      tpu.enqueue_dma source(%dma_start3A_142 : memref<1x2048xf32, #tpu.memory_space<vmem>>) target(%dma_start3A_140 : memref<1x2048xf32, #tpu.memory_space<hbm>>) target_semaphore(%arg7 : memref<!tpu.dma_semaphore, #tpu.memory_space<semaphore_mem>>)
      %slice3A_143 = vector.extract_strided_slice %get3A_15 {offsets = [10], sizes = [1], strides = [1]} : vector<16xi32> to vector<1xi32>
      %squeeze3A_144 = vector.extract %slice3A_143[0] : i32 from vector<1xi32>
      %add3A_145 = arith.addi %mul3A_2, %mul3A_13 : i32
      %add3A_146 = arith.constant 10 : i32
      %add3A_147 = arith.addi %add3A_145, %add3A_146 : i32
      %dma_start3A_148 = arith.constant 0 : i32
      %dma_start3A_149 = tpu.memref_slice %arg6[%squeeze3A_144, %dma_start3A_148] : memref<8x2048xf32, #tpu.memory_space<vmem>> -> memref<1x2048xf32, #tpu.memory_space<vmem>>
      %dma_start3A_150 = arith.constant 0 : i32
      %dma_start3A_151 = tpu.memref_slice %arg4[%add3A_147, %dma_start3A_150] : memref<32768x2048xf32, #tpu.memory_space<hbm>> -> memref<1x2048xf32, #tpu.memory_space<hbm>>
      %dma_start3A_152 = arith.constant 0 : i32
      %dma_start3A_153 = tpu.memref_slice %arg4[%add3A_147, %dma_start3A_152] : memref<32768x2048xf32, #tpu.memory_space<hbm>> -> memref<1x2048xf32, #tpu.memory_space<hbm>>
      %dma_start3A_154 = arith.constant 0 : i32
      %dma_start3A_155 = tpu.memref_slice %arg6[%squeeze3A_144, %dma_start3A_154] : memref<8x2048xf32, #tpu.memory_space<vmem>> -> memref<1x2048xf32, #tpu.memory_space<vmem>>
      tpu.enqueue_dma source(%dma_start3A_155 : memref<1x2048xf32, #tpu.memory_space<vmem>>) target(%dma_start3A_153 : memref<1x2048xf32, #tpu.memory_space<hbm>>) target_semaphore(%arg7 : memref<!tpu.dma_semaphore, #tpu.memory_space<semaphore_mem>>)
      %slice3A_156 = vector.extract_strided_slice %get3A_15 {offsets = [11], sizes = [1], strides = [1]} : vector<16xi32> to vector<1xi32>
      %squeeze3A_157 = vector.extract %slice3A_156[0] : i32 from vector<1xi32>
      %add3A_158 = arith.addi %mul3A_2, %mul3A_13 : i32
      %add3A_159 = arith.constant 11 : i32
      %add3A_160 = arith.addi %add3A_158, %add3A_159 : i32
      %dma_start3A_161 = arith.constant 0 : i32
      %dma_start3A_162 = tpu.memref_slice %arg6[%squeeze3A_157, %dma_start3A_161] : memref<8x2048xf32, #tpu.memory_space<vmem>> -> memref<1x2048xf32, #tpu.memory_space<vmem>>
      %dma_start3A_163 = arith.constant 0 : i32
      %dma_start3A_164 = tpu.memref_slice %arg4[%add3A_160, %dma_start3A_163] : memref<32768x2048xf32, #tpu.memory_space<hbm>> -> memref<1x2048xf32, #tpu.memory_space<hbm>>
      %dma_start3A_165 = arith.constant 0 : i32
      %dma_start3A_166 = tpu.memref_slice %arg4[%add3A_160, %dma_start3A_165] : memref<32768x2048xf32, #tpu.memory_space<hbm>> -> memref<1x2048xf32, #tpu.memory_space<hbm>>
      %dma_start3A_167 = arith.constant 0 : i32
      %dma_start3A_168 = tpu.memref_slice %arg6[%squeeze3A_157, %dma_start3A_167] : memref<8x2048xf32, #tpu.memory_space<vmem>> -> memref<1x2048xf32, #tpu.memory_space<vmem>>
      tpu.enqueue_dma source(%dma_start3A_168 : memref<1x2048xf32, #tpu.memory_space<vmem>>) target(%dma_start3A_166 : memref<1x2048xf32, #tpu.memory_space<hbm>>) target_semaphore(%arg7 : memref<!tpu.dma_semaphore, #tpu.memory_space<semaphore_mem>>)
      %slice3A_169 = vector.extract_strided_slice %get3A_15 {offsets = [12], sizes = [1], strides = [1]} : vector<16xi32> to vector<1xi32>
      %squeeze3A_170 = vector.extract %slice3A_169[0] : i32 from vector<1xi32>
      %add3A_171 = arith.addi %mul3A_2, %mul3A_13 : i32
      %add3A_172 = arith.constant 12 : i32
      %add3A_173 = arith.addi %add3A_171, %add3A_172 : i32
      %dma_start3A_174 = arith.constant 0 : i32
      %dma_start3A_175 = tpu.memref_slice %arg6[%squeeze3A_170, %dma_start3A_174] : memref<8x2048xf32, #tpu.memory_space<vmem>> -> memref<1x2048xf32, #tpu.memory_space<vmem>>
      %dma_start3A_176 = arith.constant 0 : i32
      %dma_start3A_177 = tpu.memref_slice %arg4[%add3A_173, %dma_start3A_176] : memref<32768x2048xf32, #tpu.memory_space<hbm>> -> memref<1x2048xf32, #tpu.memory_space<hbm>>
      %dma_start3A_178 = arith.constant 0 : i32
      %dma_start3A_179 = tpu.memref_slice %arg4[%add3A_173, %dma_start3A_178] : memref<32768x2048xf32, #tpu.memory_space<hbm>> -> memref<1x2048xf32, #tpu.memory_space<hbm>>
      %dma_start3A_180 = arith.constant 0 : i32
      %dma_start3A_181 = tpu.memref_slice %arg6[%squeeze3A_170, %dma_start3A_180] : memref<8x2048xf32, #tpu.memory_space<vmem>> -> memref<1x2048xf32, #tpu.memory_space<vmem>>
      tpu.enqueue_dma source(%dma_start3A_181 : memref<1x2048xf32, #tpu.memory_space<vmem>>) target(%dma_start3A_179 : memref<1x2048xf32, #tpu.memory_space<hbm>>) target_semaphore(%arg7 : memref<!tpu.dma_semaphore, #tpu.memory_space<semaphore_mem>>)
      %slice3A_182 = vector.extract_strided_slice %get3A_15 {offsets = [13], sizes = [1], strides = [1]} : vector<16xi32> to vector<1xi32>
      %squeeze3A_183 = vector.extract %slice3A_182[0] : i32 from vector<1xi32>
      %add3A_184 = arith.addi %mul3A_2, %mul3A_13 : i32
      %add3A_185 = arith.constant 13 : i32
      %add3A_186 = arith.addi %add3A_184, %add3A_185 : i32
      %dma_start3A_187 = arith.constant 0 : i32
      %dma_start3A_188 = tpu.memref_slice %arg6[%squeeze3A_183, %dma_start3A_187] : memref<8x2048xf32, #tpu.memory_space<vmem>> -> memref<1x2048xf32, #tpu.memory_space<vmem>>
      %dma_start3A_189 = arith.constant 0 : i32
      %dma_start3A_190 = tpu.memref_slice %arg4[%add3A_186, %dma_start3A_189] : memref<32768x2048xf32, #tpu.memory_space<hbm>> -> memref<1x2048xf32, #tpu.memory_space<hbm>>
      %dma_start3A_191 = arith.constant 0 : i32
      %dma_start3A_192 = tpu.memref_slice %arg4[%add3A_186, %dma_start3A_191] : memref<32768x2048xf32, #tpu.memory_space<hbm>> -> memref<1x2048xf32, #tpu.memory_space<hbm>>
      %dma_start3A_193 = arith.constant 0 : i32
      %dma_start3A_194 = tpu.memref_slice %arg6[%squeeze3A_183, %dma_start3A_193] : memref<8x2048xf32, #tpu.memory_space<vmem>> -> memref<1x2048xf32, #tpu.memory_space<vmem>>
      tpu.enqueue_dma source(%dma_start3A_194 : memref<1x2048xf32, #tpu.memory_space<vmem>>) target(%dma_start3A_192 : memref<1x2048xf32, #tpu.memory_space<hbm>>) target_semaphore(%arg7 : memref<!tpu.dma_semaphore, #tpu.memory_space<semaphore_mem>>)
      %slice3A_195 = vector.extract_strided_slice %get3A_15 {offsets = [14], sizes = [1], strides = [1]} : vector<16xi32> to vector<1xi32>
      %squeeze3A_196 = vector.extract %slice3A_195[0] : i32 from vector<1xi32>
      %add3A_197 = arith.addi %mul3A_2, %mul3A_13 : i32
      %add3A_198 = arith.constant 14 : i32
      %add3A_199 = arith.addi %add3A_197, %add3A_198 : i32
      %dma_start3A_200 = arith.constant 0 : i32
      %dma_start3A_201 = tpu.memref_slice %arg6[%squeeze3A_196, %dma_start3A_200] : memref<8x2048xf32, #tpu.memory_space<vmem>> -> memref<1x2048xf32, #tpu.memory_space<vmem>>
      %dma_start3A_202 = arith.constant 0 : i32
      %dma_start3A_203 = tpu.memref_slice %arg4[%add3A_199, %dma_start3A_202] : memref<32768x2048xf32, #tpu.memory_space<hbm>> -> memref<1x2048xf32, #tpu.memory_space<hbm>>
      %dma_start3A_204 = arith.constant 0 : i32
      %dma_start3A_205 = tpu.memref_slice %arg4[%add3A_199, %dma_start3A_204] : memref<32768x2048xf32, #tpu.memory_space<hbm>> -> memref<1x2048xf32, #tpu.memory_space<hbm>>
      %dma_start3A_206 = arith.constant 0 : i32
      %dma_start3A_207 = tpu.memref_slice %arg6[%squeeze3A_196, %dma_start3A_206] : memref<8x2048xf32, #tpu.memory_space<vmem>> -> memref<1x2048xf32, #tpu.memory_space<vmem>>
      tpu.enqueue_dma source(%dma_start3A_207 : memref<1x2048xf32, #tpu.memory_space<vmem>>) target(%dma_start3A_205 : memref<1x2048xf32, #tpu.memory_space<hbm>>) target_semaphore(%arg7 : memref<!tpu.dma_semaphore, #tpu.memory_space<semaphore_mem>>)
      %slice3A_208 = vector.extract_strided_slice %get3A_15 {offsets = [15], sizes = [1], strides = [1]} : vector<16xi32> to vector<1xi32>
      %squeeze3A_209 = vector.extract %slice3A_208[0] : i32 from vector<1xi32>
      %add3A_210 = arith.addi %mul3A_2, %mul3A_13 : i32
      %add3A_211 = arith.constant 15 : i32
      %add3A_212 = arith.addi %add3A_210, %add3A_211 : i32
      %dma_start3A_213 = arith.constant 0 : i32
      %dma_start3A_214 = tpu.memref_slice %arg6[%squeeze3A_209, %dma_start3A_213] : memref<8x2048xf32, #tpu.memory_space<vmem>> -> memref<1x2048xf32, #tpu.memory_space<vmem>>
      %dma_start3A_215 = arith.constant 0 : i32
      %dma_start3A_216 = tpu.memref_slice %arg4[%add3A_212, %dma_start3A_215] : memref<32768x2048xf32, #tpu.memory_space<hbm>> -> memref<1x2048xf32, #tpu.memory_space<hbm>>
      %dma_start3A_217 = arith.constant 0 : i32
      %dma_start3A_218 = tpu.memref_slice %arg4[%add3A_212, %dma_start3A_217] : memref<32768x2048xf32, #tpu.memory_space<hbm>> -> memref<1x2048xf32, #tpu.memory_space<hbm>>
      %dma_start3A_219 = arith.constant 0 : i32
      %dma_start3A_220 = tpu.memref_slice %arg6[%squeeze3A_209, %dma_start3A_219] : memref<8x2048xf32, #tpu.memory_space<vmem>> -> memref<1x2048xf32, #tpu.memory_space<vmem>>
      tpu.enqueue_dma source(%dma_start3A_220 : memref<1x2048xf32, #tpu.memory_space<vmem>>) target(%dma_start3A_218 : memref<1x2048xf32, #tpu.memory_space<hbm>>) target_semaphore(%arg7 : memref<!tpu.dma_semaphore, #tpu.memory_space<semaphore_mem>>)
      %gt3A = arith.constant 0 : i32
      %gt3A_221 = arith.cmpi sgt, %scan3A_11, %gt3A : i32
      %convert_element_type3A = arith.extui %gt3A_221 : i1 to i32
      %cond3A = arith.constant 0 : i32
      %cond3A_222 = arith.cmpi ne, %convert_element_type3A, %cond3A : i32
      scf.if %cond3A_222 {
        %dma_wait3A_223 = arith.constant 0 : i32
        %dma_wait3A_224 = tpu.memref_slice %arg4[%mul3A_2, %dma_wait3A_223] : memref<32768x2048xf32, #tpu.memory_space<hbm>> -> memref<16x2048xf32, #tpu.memory_space<hbm>>
        %dma_wait3A_225 = arith.constant 0 : i32
        %dma_wait3A_226 = tpu.memref_slice %arg4[%mul3A_2, %dma_wait3A_225] : memref<32768x2048xf32, #tpu.memory_space<hbm>> -> memref<16x2048xf32, #tpu.memory_space<hbm>>
        tpu.wait_dma2 semaphore(%arg7 : memref<!tpu.dma_semaphore, #tpu.memory_space<semaphore_mem>>) src(%dma_wait3A_226 : memref<16x2048xf32, #tpu.memory_space<hbm>>) dst(%dma_wait3A_224 : memref<16x2048xf32, #tpu.memory_space<hbm>>)
      } else {
      }
    }
    %scan3A_7 = arith.constant 64 : i32
    %dma_wait3A = arith.constant 0 : i32
    %dma_wait3A_8 = tpu.memref_slice %arg4[%mul3A_2, %dma_wait3A] : memref<32768x2048xf32, #tpu.memory_space<hbm>> -> memref<16x2048xf32, #tpu.memory_space<hbm>>
    %dma_wait3A_9 = arith.constant 0 : i32
    %dma_wait3A_10 = tpu.memref_slice %arg4[%mul3A_2, %dma_wait3A_9] : memref<32768x2048xf32, #tpu.memory_space<hbm>> -> memref<16x2048xf32, #tpu.memory_space<hbm>>
    tpu.wait_dma2 semaphore(%arg7 : memref<!tpu.dma_semaphore, #tpu.memory_space<semaphore_mem>>) src(%dma_wait3A_10 : memref<16x2048xf32, #tpu.memory_space<hbm>>) dst(%dma_wait3A_8 : memref<16x2048xf32, #tpu.memory_space<hbm>>)
    return
  }
}

</mosaic_0001>

<sc_bundles>
// kernel: kernel.3.cloned.1.call-start
scs
__scs_entry_jumppad:
0x0: {  	(pc) =	sbr.rel $0x88, $3  }
0x1: {  	(tag) =	ssettag $0x0;
	lr =	simm.s32 $0x1  }
0x2: {  	[smem:$0x3F9F] =	sst lr;
	_ =	strace $0xD0000000  }
0x3: {  	_ = 	snop  }
0x4: {  	_ = 	snop  }
0x5: {  	_ = 	snop  }
0x6: {  	_ = 	snop  }
0x7: {  	_ = 	snop  }
__scs_overlays_trampoline_lowered:
0x8: {  	[smem:$0x3FAE] =	sst s0  }
0x9: {  	[smem:$0x3FAF] =	sst s1  }
0xa: {  	[smem:$0x3FB0] =	sst s2  }
0xb: {  	[smem:$0x3FB1] =	sst s3  }
0xc: {  	[smem:$0x3FB2] =	sst s4  }
0xd: {  	[smem:$0x3FB3] =	sst s5  }
0xe: {  	[smem:$0x3FB4] =	sst s6  }
0xf: {  	[smem:$0x3FB5] =	sst s7  }
0x10: {  	[smem:$0x3FB6] =	sst s8  }
0x11: {  	[smem:$0x3FB7] =	sst s9;
	s0 =	simm.s32 @!p0 $0x0  }
0x12: {  	s1 =	sld [smem:$0x3F9D];
	s0 =	simm.s32 @p0 $0x1  }
0x13: {  	[smem:$0x3FB8] =	sst s0;
	s0 =	simm.s32 @!p1 $0x0  }
0x14: {  	s2 =	sld [smem:$0x3F9C];
	s0 =	simm.s32 @p1 $0x1  }
0x15: {  	[smem:$0x3FB9] =	sst s0;
	s0 =	simm.s32 @!p2 $0x0  }
0x16: {  	s3 =	sld [smem:$0x3FDB];
	s0 =	simm.s32 @p2 $0x1  }
0x17: {  	s4 =	simm.s32 $0x1BF5;
	[smem:$0x3FBB] =	sst s0  }
0x18: {  	s0 =	sld [smem:$0x3F9E];
	_ =	swait.ge [sflag:s4], $0x0  }
0x19: {  	s7 =	sld [smem:$0x3F9F]  }
0x1a: {  	s8 =	sadd.s32 $0xFFFFE003, lr  }
0x1b: {  	s9 =	sadd.s32 $0xFFFFFEF7, lr;
	s5 =	simm.s32 $0xFFFFFFFF;
	p2 =	slt.u32 s8, $0xFFFFF086  }
0x1c: {  	p1 =	slt.u32 s9, $0xF7A;
	s5 =	simm.s32 @!p2 $0x0  }
0x1d: {  	s5 =	simm.s32 @p1 $0x1;
	p0 =	seq.s32 s7, s2  }
0x1e: {  	s7 =	smul.u32 @!p0 $0xF7A, s2;
	p2 =	seq.s32 @!p0 s5, $0x0  }
0x1f: {  	s9 =	smul.u32 $0xF7A, s1;
	s8 =	simm.s32 @!p0 $0x1BF5;
	p2 =	por !p2, p0  }
0x20: {  	[sflag:s8] =	ssyncset.s32 @!p0 $0xFFFFF086;
	s6 =	sadd.s32 @!p0 s3, s7;
	s7 =	simm.s32 @!p0 $0x108  }
0x21: {  	s3 =	sadd.s32 s3, s9;
	s6 =	sadd.s32 @!p0 $0x88, s6;
	s7 =	simm.s32 @p2 $0x1082  }
0x22: {  	[simem:s7], [sflag:s8] =	dma.local @!p0 [hbm:s6], $0xF7A  }
0x23: {  	s9 =	sor.u32 $0xD0000000, s2;
	s6 =	simm.s32 $0x108;
	_ =	swait.ge @!p0 [sflag:s8], $0x0  }
0x24: {  	s3 =	sadd.s32 $0x88, s3;
	s6 =	simm.s32 @!p1 $0x1082;
	[sflag:s4] =	ssyncset.s32 $0xFFFFF086  }
0x25: {  	[simem:s6], [sflag:s4] =	dma.local [hbm:s3], $0xF7A  }
0x26: {  	[smem:$0x3F9F] =	sst s1;
	(tag) =	ssettag s2;
	_ =	strace s9  }
0x27: {  	s1 =	sld [smem:$0x3FAF]  }
0x28: {  	s2 =	sld [smem:$0x3FB0]  }
0x29: {  	s4 =	sld [smem:$0x3FB2]  }
0x2a: {  	p0 =	seq.s32 s5, $0x0;
	s5 =	sld [smem:$0x3FB3]  }
0x2b: {  	s6 =	sld [smem:$0x3FB4]  }
0x2c: {  	s7 =	sld [smem:$0x3FB5]  }
0x2d: {  	s3 =	simm.s32 $0x108;
	s8 =	sld [smem:$0x3FB6]  }
0x2e: {  	s3 =	simm.s32 @!p0 $0x1082;
	s9 =	sld [smem:$0x3FB7]  }
0x2f: {  	lr =	sadd.s32 s0, s3;
	s0 =	sld [smem:$0x3FAE]  }
0x30: {  	s3 =	sld [smem:$0x3FB1]  }
0x31: {  	[smem:$0x3FBA] =	sst s10  }
0x32: {  	s10 =	sld [smem:$0x3FB8];
	_ =	sdelay $0x3  }
0x33: {  	p0 =	seq.s32 s10, $0x1;
	s10 =	sld [smem:$0x3FBA];
	_ =	sdelay $0x3  }
0x34: {  	[smem:$0x3FBA] =	sst s10  }
0x35: {  	s10 =	sld [smem:$0x3FB9];
	_ =	sdelay $0x3  }
0x36: {  	p1 =	seq.s32 s10, $0x1;
	s10 =	sld [smem:$0x3FBA];
	_ =	sdelay $0x3  }
0x37: {  	[smem:$0x3FBA] =	sst s10  }
0x38: {  	s10 =	sld [smem:$0x3FBB]  }
0x39: {  	_ = 	snop;
	(pc) =	sbr.ind lr, $3  }
0x3a: {  	_ = 	snop  }
0x3b: {  	_ = 	snop  }
0x3c: {  	p2 =	seq.s32 s10, $0x1;
	s10 =	sld [smem:$0x3FBA]  }
0x3d: {  	_ =	shalt  }
0x3e: {  	_ =	shalt  }
0x3f: {  	_ =	shalt  }
0x40: {  	_ =	shalt  }
0x41: {  	_ =	shalt  }
0x42: {  	_ =	shalt  }
0x43: {  	_ =	shalt  }
0x44: {  	_ =	shalt  }
0x45: {  	_ =	shalt  }
0x46: {  	_ =	shalt  }
0x47: {  	_ =	shalt  }
0x48: {  	_ =	shalt  }
0x49: {  	_ =	shalt  }
0x4a: {  	_ =	shalt  }
0x4b: {  	_ =	shalt  }
0x4c: {  	_ =	shalt  }
0x4d: {  	_ =	shalt  }
0x4e: {  	_ =	shalt  }
0x4f: {  	_ =	shalt  }
0x50: {  	_ =	shalt  }
0x51: {  	_ =	shalt  }
0x52: {  	_ =	shalt  }
0x53: {  	_ =	shalt  }
0x54: {  	_ =	shalt  }
0x55: {  	_ =	shalt  }
0x56: {  	_ =	shalt  }
0x57: {  	_ =	shalt  }
0x58: {  	_ =	shalt  }
0x59: {  	_ =	shalt  }
0x5a: {  	_ =	shalt  }
0x5b: {  	_ =	shalt  }
0x5c: {  	_ =	shalt  }
0x5d: {  	_ =	shalt  }
0x5e: {  	_ =	shalt  }
0x5f: {  	_ =	shalt  }
0x60: {  	_ =	shalt  }
0x61: {  	_ =	shalt  }
0x62: {  	_ =	shalt  }
0x63: {  	_ =	shalt  }
0x64: {  	_ =	shalt  }
0x65: {  	_ =	shalt  }
0x66: {  	_ =	shalt  }
0x67: {  	_ =	shalt  }
0x68: {  	_ =	shalt  }
0x69: {  	_ =	shalt  }
0x6a: {  	_ =	shalt  }
0x6b: {  	_ =	shalt  }
0x6c: {  	_ =	shalt  }
0x6d: {  	_ =	shalt  }
0x6e: {  	_ =	shalt  }
0x6f: {  	_ =	shalt  }
0x70: {  	_ =	shalt  }
0x71: {  	_ =	shalt  }
0x72: {  	_ =	shalt  }
0x73: {  	_ =	shalt  }
0x74: {  	_ =	shalt  }
0x75: {  	_ =	shalt  }
0x76: {  	_ =	shalt  }
0x77: {  	_ =	shalt  }
0x78: {  	_ =	shalt  }
0x79: {  	_ =	shalt  }
0x7a: {  	_ =	shalt  }
0x7b: {  	_ =	shalt  }
0x7c: {  	_ =	shalt  }
0x7d: {  	_ =	shalt  }
0x7e: {  	_ =	shalt  }
0x7f: {  	_ =	shalt  }
0x80: {  	_ =	shalt  }
0x81: {  	_ =	shalt  }
0x82: {  	_ =	shalt  }
0x83: {  	_ =	shalt  }
0x84: {  	_ =	shalt  }
0x85: {  	_ =	shalt  }
0x86: {  	_ =	shalt  }
0x87: {  	_ =	shalt  }
.Lfunc_end0:
.L_simem_size_0:
called_computation_lowered:
.L_overlay_start_0:
0x88: {  	s2 =	sld [smem:$0x3FD9]  }
0x89: {  	s3 =	sld [smem:$0x3FFE];
	_ =	sdelay $0x1  }
0x8a: {  	s1 =	srdreg.scid  }
0x8b: {  	s0 =	sand.u32 $0x1, s1  }
0x8c: {  	s17 =	sshll.u32 s0, $0xA;
	s2 =	sadd.s32 s3, s2  }
0x8d: {  	s2 =	sadd.s32 s2, s17  }
0x8e: {  	[smem:$0x3FC6] =	sst s2  }
0x8f: {  	_ = 	snop  }
0x90: {  	s2 =	sld [smem:$0x3FC8]  }
0x91: {  	s18 =	sld [smem:$0x3FD0];
	(tm) =	ssettm $0x1  }
0x92: {  	s4 =	sld [smem:$0x3FFB];
	_ =	sdelay $0x3  }
0x93: {  	_ =	strace s4  }
0x94: {  	s4 =	sld [smem:$0x3FFC];
	_ =	sdelay $0x3  }
0x95: {  	_ =	strace s4  }
0x96: {  	s4 =	sld [smem:$0x3FFD];
	_ =	sdelay $0x3  }
0x97: {  	_ =	strace s4  }
0x98: {  	_ =	strace $0x8FFFFFFF  }
0x99: {  	s19 =	sld [smem:$0x3FDB];
	_ =	sdelay $0x1  }
0x9a: {  	s5 =	simm.s32 $_scs_section_size  }
0x9b: {  	s6 =	simm.s32 $_size__tile_overlayer_lowered;
	s7 =	simm.s32 $_tile_overlayer_lowered  }
0x9c: {  	s22 =	simm.s32 $0x1BFF;
	s21 =	sshll.u32 s7, $0x1;
	s4 =	sadd.s32 s5, s19  }
0x9d: {  	s8 =	simm.s32 $0x0;
	s20 =	sshll.u32 s6, $0x1;
	s6 =	sadd.s32 s21, s4  }
0x9e: {  	[timem:s8], [sflag:s22] =	dma.local [hbm:s6], s20  }
0x9f: {  	_ =	swait.ge [sflag:s22], s20  }
0xa0: {  	s5 =	ssub.s32 $0x0, s20;
	[sflag:s22] =	ssyncset.done $0x0  }
0xa1: {  	[sflag:s22] =	ssyncadd.s32 s5;
	_ =	sdelay $0x1  }
0xa2: {  	s23 =	simm.s32 $0x1B8B  }
0xa3: {  	_ =	swait.ge [sflag:s23], $0x1  }
0xa4: {  	[sflag:s23] =	ssyncset.done $0x0  }
0xa5: {  	s25 =	simm.s32 $0x1B8E;
	s24 =	sld [smem:$0x3FFE];
	[sflag:s23] =	ssyncadd.s32 $0xFFFFFFFF  }
0xa6: {  	s26 =	simm.s32 $execute0_lowered;
	[smem:$0x3FD2] =	sst s25  }
0xa7: {  	s6 =	sshll.u32 s26, $0x1;
	_ =	strace $0x80000046;
	[dreg:$0x1] =	wrdreg $0xFFFFFFFF  }
0xa8: {  	s28 =	simm.s32 $_size_execute0_lowered;
	s4 =	sadd.s32 s4, s6;
	[dreg:$0x0] =	wrdreg $0x0  }
0xa9: {  	s6 =	sshll.u32 s28, $0x1;
	[dreg:$0x2] =	wrdreg s4  }
0xaa: {  	[dreg:$0x3] =	wrdreg s6  }
0xab: {  	[dreg:$0x4] =	wrdreg $0xC0  }
0xac: {  	_ =	task [dreg:s8], $0x5FFFF  }
0xad: {  	[dreg:$0x1] =	wrdreg $0xFFFFFFFF  }
0xae: {  	[dreg:$0x0] =	wrdreg $0x60  }
0xaf: {  	[dreg:$0x2] =	wrdreg s24  }
0xb0: {  	[dreg:$0x3] =	wrdreg s2  }
0xb1: {  	[dreg:$0x4] =	wrdreg s18  }
0xb2: {  	[dreg:$0x5] =	wrdreg $0x9  }
0xb3: {  	_ =	task.clear_ibuf [dreg:s8], $0x6FFFF;
	_ =	strace $0x90000046  }
0xb4: {  	s29 =	simm.s32 $0x9;
	_ =	strace $0x80000048  }
0xb5: {  	_ =	swait.ge [sflag:s29], $0x1  }
0xb6: {  	[sflag:s29] =	ssyncadd.s32 $0xFFFFFFFF  }
0xb7: {  	_ =	strace $0x90000048  }
0xb8: {  	_ =	sfence  }
0xb9: {  	s30 =	sld [smem:$0x0];
	_ =	sdelay $0x2  }
0xba: {  	s31 =	sshll.u32 s1, $0xD;
	s1 =	sshrl.u32 s1, $0x2  }
0xbb: {  	s3 =	sand.u32 $0x4000, s31;
	s1 =	sadd.s32 s1, s30  }
0xbc: {  	s0 =	sor.u32 s3, s0;
	s1 =	sshll.u32 s1, $0x11  }
0xbd: {  	s0 =	sor.u32 s1, s0  }
0xbe: {  	s0 =	sadd.s32 $0x8F2B, s0  }
0xbf: {  	[sflag:s0] =	ssyncadd.remote.s32 $0x1  }
0xc0: {  	_ =	sfence.sel $0xFFFF  }
0xc1: {  	[dreg:$0x0] =	wrdreg $0xFFFFFFFF;
	(pc) =	sbr.abs _section_cstart, $3  }
0xc2: {  	[dreg:$0x1] =	wrdreg $0xFFFFFFFF  }
0xc3: {  	_ =	task.clear_ibuf [dreg:s8], $0x2FFFF;
	_ =	strace $0x9FFFFFFF  }
0xc4: {  	(tm) =	ssettm $0x7FFFFFFF  }
0xc5: {  	_ =	shalt  }
tec
execute0_lowered:
.L_overlay_start_1:
0x0: {  	(tag) =	ssettag $0x1  }
0x1: {  	s4 =	rddreg [dreg:$0x0]  }
0x2: {  	s2 =	rddreg [dreg:$0x1]  }
0x3: {  	s5 =	rddreg [dreg:$0x2]  }
0x4: {  	s3 =	srdreg.scid;
	s0 =	rddreg [dreg:$0x3]  }
0x5: {  	s1 =	stileid.u32;
	s6 =	sand.u32 $0x1, s3;
	s3 =	simm.s32 $0x0  }
0x6: {  	s7 =	sshll.u32 s1, $0xB;
	s31 =	sshll.u32 s1, $0x13;
	s8 =	sshll.u32 s6, $0xA  }
0x7: {  	[smem:$0x7FF] =	sst s3;
	s30 =	ssub.s32 $0x2, s6;
	s5 =	sadd.s32 s31, s5  }
0x8: {  	s6 =	sshll.u32 s6, $0x12;
	s7 =	sor.u32 s8, s7;
	_ =	strace $0x80000047  }
0x9: {  	s9 =	sshrl.u32 s30, $0x1;
	s6 =	sadd.s32 s6, s5;
	s8 =	simm.s32 $0x1  }
0xa: {  	s7 =	sshrl.u32 s7, $0x3;
	[dreg:$0x4] =	wrdreg s6;
	s6 =	simm.s32 $0x2  }
0xb: {  	s4 =	sadd.s32 s7, s4;
	s7 =	ssub.s32 s30, s9;
	s9 =	simm.s32 $0x0  }
0xc: {  	s4 =	sadd.s32 $0x400, s4;
	s5 =	smax.u32 s7, $0x1;
	s7 =	simm.s32 $0x400  }
.LBB2_1:
0xd: {  	[tilespmem:s3], [sflag:$0x2] =	stream.linear.gather [hbm4b:s4+s3], $0x400, $0x38;
	[tilespmem:$0x4400] =	vst v63  }
0xe: {  	_ =	swait.ge [sflag:s6], $0x400  }
0xf: {  	[sflag:s6] =	ssyncset.done $0x0  }
0x10: {  	[sflag:s6] =	ssyncadd.s32 $0xFFFFFC00  }
0x11: {  	[tilespmem:s7], [sflag:$0x2] =	stream.linear.gather [hbm4b:s2+s3], $0x4000, $0x38;
	[tilespmem:$0x4400] =	vst v63  }
0x12: {  	_ =	swait.ge [sflag:s6], $0x4000  }
0x13: {  	[sflag:s6] =	ssyncset.done $0x0  }
0x14: {  	s10 =	simm.s32 $0x0;
	s11 =	simm.s32 $0x0;
	[sflag:s6] =	ssyncadd.s32 $0xFFFFC000  }
.LBB2_2:
0x15: {  	v0 =	vld [tilespmem:s10+$0x0];
	_ =	sdelay $0x4  }
0x16: {  	(v2sf) =	vpush v0, $0x0;
	_ =	sdelay $0xe  }
0x17: {  	s12 =	spop (v2sf)  }
0x18: {  	s13 =	sshll.u32 s12, $0xB;
	s12 =	sshll.u32 s12, $0x7  }
0x19: {  	s13 =	sand.u32 $0xFFFFC000, s13;
	s12 =	sand.u32 $0x380, s12  }
0x1a: {  	s14 =	rddreg [dreg:$0x4];
	s13 =	sor.u32 s12, s13  }
0x1b: {  	s12 =	sadd.s32 s11, s14;
	s15 =	sor.u32 $0x400, s13  }
0x1c: {  	[hbm4b:s12+s3] =	stream.linear.scatter [tilespmem:s15], [sflag:$0x1], $0x80, $0x38;
	[tilespmem:$0x4400] =	vst v63  }
0x1d: {  	s19 =	sor.u32 $0x800, s13;
	s20 =	sadd.s32 $0x80, s12  }
0x1e: {  	[hbm4b:s20+s3] =	stream.linear.scatter [tilespmem:s19], [sflag:$0x1], $0x80, $0x38;
	[tilespmem:$0x4400] =	vst v63  }
0x1f: {  	s21 =	sor.u32 $0xC00, s13;
	s22 =	sadd.s32 $0x100, s12  }
0x20: {  	[hbm4b:s22+s3] =	stream.linear.scatter [tilespmem:s21], [sflag:$0x1], $0x80, $0x38;
	[tilespmem:$0x4400] =	vst v63  }
0x21: {  	s23 =	sor.u32 $0x1000, s13;
	s24 =	sadd.s32 $0x180, s12  }
0x22: {  	[hbm4b:s24+s3] =	stream.linear.scatter [tilespmem:s23], [sflag:$0x1], $0x80, $0x38;
	[tilespmem:$0x4400] =	vst v63  }
0x23: {  	s25 =	sor.u32 $0x1400, s13;
	s26 =	sadd.s32 $0x200, s12  }
0x24: {  	[hbm4b:s26+s3] =	stream.linear.scatter [tilespmem:s25], [sflag:$0x1], $0x80, $0x38;
	[tilespmem:$0x4400] =	vst v63  }
0x25: {  	s28 =	sor.u32 $0x1800, s13;
	s29 =	sadd.s32 $0x280, s12  }
0x26: {  	[hbm4b:s29+s3] =	stream.linear.scatter [tilespmem:s28], [sflag:$0x1], $0x80, $0x38;
	[tilespmem:$0x4400] =	vst v63  }
0x27: {  	s30 =	sor.u32 $0x1C00, s13;
	s31 =	sadd.s32 $0x300, s12  }
0x28: {  	[hbm4b:s31+s3] =	stream.linear.scatter [tilespmem:s30], [sflag:$0x1], $0x80, $0x38;
	[tilespmem:$0x4400] =	vst v63  }
0x29: {  	s16 =	sadd.s32 $0x380, s12;
	s15 =	sor.u32 $0x2000, s13  }
0x2a: {  	(v2sf) =	vpush v0, $0x1;
	[hbm4b:s16+s3] =	stream.linear.scatter [tilespmem:s15], [sflag:$0x1], $0x80, $0x38;
	[tilespmem:$0x4400] =	vst v63  }
0x2b: {  	s17 =	sor.u32 $0x2400, s13;
	s18 =	sadd.s32 $0x400, s12  }
0x2c: {  	[hbm4b:s18+s3] =	stream.linear.scatter [tilespmem:s17], [sflag:$0x1], $0x80, $0x38;
	[tilespmem:$0x4400] =	vst v63  }
0x2d: {  	s19 =	sor.u32 $0x2800, s13;
	s20 =	sadd.s32 $0x480, s12  }
0x2e: {  	[hbm4b:s20+s3] =	stream.linear.scatter [tilespmem:s19], [sflag:$0x1], $0x80, $0x38;
	[tilespmem:$0x4400] =	vst v63  }
0x2f: {  	s21 =	sor.u32 $0x2C00, s13;
	s22 =	sadd.s32 $0x500, s12  }
0x30: {  	[hbm4b:s22+s3] =	stream.linear.scatter [tilespmem:s21], [sflag:$0x1], $0x80, $0x38;
	[tilespmem:$0x4400] =	vst v63  }
0x31: {  	s23 =	sor.u32 $0x3000, s13;
	s24 =	sadd.s32 $0x580, s12  }
0x32: {  	[hbm4b:s24+s3] =	stream.linear.scatter [tilespmem:s23], [sflag:$0x1], $0x80, $0x38;
	[tilespmem:$0x4400] =	vst v63  }
0x33: {  	s25 =	sor.u32 $0x3400, s13;
	s26 =	sadd.s32 $0x600, s12  }
0x34: {  	[hbm4b:s26+s3] =	stream.linear.scatter [tilespmem:s25], [sflag:$0x1], $0x80, $0x38;
	[tilespmem:$0x4400] =	vst v63  }
0x35: {  	s28 =	sor.u32 $0x3800, s13;
	s29 =	sadd.s32 $0x680, s12  }
0x36: {  	[hbm4b:s29+s3] =	stream.linear.scatter [tilespmem:s28], [sflag:$0x1], $0x80, $0x38;
	[tilespmem:$0x4400] =	vst v63  }
0x37: {  	s30 =	sor.u32 $0x3C00, s13;
	s31 =	sadd.s32 $0x700, s12  }
0x38: {  	[hbm4b:s31+s3] =	stream.linear.scatter [tilespmem:s30], [sflag:$0x1], $0x80, $0x38;
	[tilespmem:$0x4400] =	vst v63  }
0x39: {  	s13 =	sadd.s32 $0x4000, s13;
	s15 =	sadd.s32 $0x780, s12;
	s16 =	spop (v2sf)  }
0x3a: {  	[hbm4b:s15+s3] =	stream.linear.scatter [tilespmem:s13], [sflag:$0x1], $0x80, $0x38;
	[tilespmem:$0x4400] =	vst v63  }
0x3b: {  	s17 =	sshll.u32 s16, $0xB;
	s13 =	sshll.u32 s16, $0x7  }
0x3c: {  	s14 =	sand.u32 $0xFFFFC000, s17;
	s13 =	sand.u32 $0x380, s13  }
0x3d: {  	s13 =	sor.u32 s13, s14  }
0x3e: {  	s18 =	sadd.s32 $0x10, s12;
	s14 =	sor.u32 $0x400, s13  }
0x3f: {  	[hbm4b:s18+s3] =	stream.linear.scatter [tilespmem:s14], [sflag:$0x1], $0x80, $0x38;
	[tilespmem:$0x4400] =	vst v63  }
0x40: {  	s20 =	sadd.s32 $0x90, s12;
	s19 =	sor.u32 $0x800, s13  }
0x41: {  	[hbm4b:s20+s3] =	stream.linear.scatter [tilespmem:s19], [sflag:$0x1], $0x80, $0x38;
	[tilespmem:$0x4400] =	vst v63  }
0x42: {  	s22 =	sadd.s32 $0x110, s12;
	s21 =	sor.u32 $0xC00, s13  }
0x43: {  	[hbm4b:s22+s3] =	stream.linear.scatter [tilespmem:s21], [sflag:$0x1], $0x80, $0x38;
	[tilespmem:$0x4400] =	vst v63  }
0x44: {  	s24 =	sadd.s32 $0x190, s12;
	s23 =	sor.u32 $0x1000, s13  }
0x45: {  	[hbm4b:s24+s3] =	stream.linear.scatter [tilespmem:s23], [sflag:$0x1], $0x80, $0x38;
	[tilespmem:$0x4400] =	vst v63  }
0x46: {  	s26 =	sadd.s32 $0x210, s12;
	s25 =	sor.u32 $0x1400, s13  }
0x47: {  	[hbm4b:s26+s3] =	stream.linear.scatter [tilespmem:s25], [sflag:$0x1], $0x80, $0x38;
	[tilespmem:$0x4400] =	vst v63  }
0x48: {  	s29 =	sadd.s32 $0x290, s12;
	s28 =	sor.u32 $0x1800, s13  }
0x49: {  	[hbm4b:s29+s3] =	stream.linear.scatter [tilespmem:s28], [sflag:$0x1], $0x80, $0x38;
	[tilespmem:$0x4400] =	vst v63  }
0x4a: {  	s31 =	sadd.s32 $0x310, s12;
	s30 =	sor.u32 $0x1C00, s13  }
0x4b: {  	[hbm4b:s31+s3] =	stream.linear.scatter [tilespmem:s30], [sflag:$0x1], $0x80, $0x38;
	[tilespmem:$0x4400] =	vst v63  }
0x4c: {  	s16 =	sadd.s32 $0x390, s12;
	s15 =	sor.u32 $0x2000, s13  }
0x4d: {  	(v2sf) =	vpush v0, $0x2;
	[hbm4b:s16+s3] =	stream.linear.scatter [tilespmem:s15], [sflag:$0x1], $0x80, $0x38;
	[tilespmem:$0x4400] =	vst v63  }
0x4e: {  	s17 =	sor.u32 $0x2400, s13;
	s18 =	sadd.s32 $0x410, s12  }
0x4f: {  	[hbm4b:s18+s3] =	stream.linear.scatter [tilespmem:s17], [sflag:$0x1], $0x80, $0x38;
	[tilespmem:$0x4400] =	vst v63  }
0x50: {  	s19 =	sor.u32 $0x2800, s13;
	s20 =	sadd.s32 $0x490, s12  }
0x51: {  	[hbm4b:s20+s3] =	stream.linear.scatter [tilespmem:s19], [sflag:$0x1], $0x80, $0x38;
	[tilespmem:$0x4400] =	vst v63  }
0x52: {  	s21 =	sor.u32 $0x2C00, s13;
	s22 =	sadd.s32 $0x510, s12  }
0x53: {  	[hbm4b:s22+s3] =	stream.linear.scatter [tilespmem:s21], [sflag:$0x1], $0x80, $0x38;
	[tilespmem:$0x4400] =	vst v63  }
0x54: {  	s23 =	sor.u32 $0x3000, s13;
	s24 =	sadd.s32 $0x590, s12  }
0x55: {  	[hbm4b:s24+s3] =	stream.linear.scatter [tilespmem:s23], [sflag:$0x1], $0x80, $0x38;
	[tilespmem:$0x4400] =	vst v63  }
0x56: {  	s25 =	sor.u32 $0x3400, s13;
	s26 =	sadd.s32 $0x610, s12  }
0x57: {  	[hbm4b:s26+s3] =	stream.linear.scatter [tilespmem:s25], [sflag:$0x1], $0x80, $0x38;
	[tilespmem:$0x4400] =	vst v63  }
0x58: {  	s28 =	sor.u32 $0x3800, s13;
	s29 =	sadd.s32 $0x690, s12  }
0x59: {  	[hbm4b:s29+s3] =	stream.linear.scatter [tilespmem:s28], [sflag:$0x1], $0x80, $0x38;
	[tilespmem:$0x4400] =	vst v63  }
0x5a: {  	s30 =	sor.u32 $0x3C00, s13;
	s31 =	sadd.s32 $0x710, s12  }
0x5b: {  	[hbm4b:s31+s3] =	stream.linear.scatter [tilespmem:s30], [sflag:$0x1], $0x80, $0x38;
	[tilespmem:$0x4400] =	vst v63  }
0x5c: {  	s13 =	sadd.s32 $0x4000, s13;
	s15 =	sadd.s32 $0x790, s12;
	s16 =	spop (v2sf)  }
0x5d: {  	[hbm4b:s15+s3] =	stream.linear.scatter [tilespmem:s13], [sflag:$0x1], $0x80, $0x38;
	[tilespmem:$0x4400] =	vst v63  }
0x5e: {  	s17 =	sshll.u32 s16, $0xB;
	s13 =	sshll.u32 s16, $0x7  }
0x5f: {  	s14 =	sand.u32 $0xFFFFC000, s17;
	s13 =	sand.u32 $0x380, s13  }
0x60: {  	s13 =	sor.u32 s13, s14  }
0x61: {  	s18 =	sadd.s32 $0x20, s12;
	s14 =	sor.u32 $0x400, s13  }
0x62: {  	[hbm4b:s18+s3] =	stream.linear.scatter [tilespmem:s14], [sflag:$0x1], $0x80, $0x38;
	[tilespmem:$0x4400] =	vst v63  }
0x63: {  	s20 =	sadd.s32 $0xA0, s12;
	s19 =	sor.u32 $0x800, s13  }
0x64: {  	[hbm4b:s20+s3] =	stream.linear.scatter [tilespmem:s19], [sflag:$0x1], $0x80, $0x38;
	[tilespmem:$0x4400] =	vst v63  }
0x65: {  	s22 =	sadd.s32 $0x120, s12;
	s21 =	sor.u32 $0xC00, s13  }
0x66: {  	[hbm4b:s22+s3] =	stream.linear.scatter [tilespmem:s21], [sflag:$0x1], $0x80, $0x38;
	[tilespmem:$0x4400] =	vst v63  }
0x67: {  	s24 =	sadd.s32 $0x1A0, s12;
	s23 =	sor.u32 $0x1000, s13  }
0x68: {  	[hbm4b:s24+s3] =	stream.linear.scatter [tilespmem:s23], [sflag:$0x1], $0x80, $0x38;
	[tilespmem:$0x4400] =	vst v63  }
0x69: {  	s26 =	sadd.s32 $0x220, s12;
	s25 =	sor.u32 $0x1400, s13  }
0x6a: {  	[hbm4b:s26+s3] =	stream.linear.scatter [tilespmem:s25], [sflag:$0x1], $0x80, $0x38;
	[tilespmem:$0x4400] =	vst v63  }
0x6b: {  	s29 =	sadd.s32 $0x2A0, s12;
	s28 =	sor.u32 $0x1800, s13  }
0x6c: {  	[hbm4b:s29+s3] =	stream.linear.scatter [tilespmem:s28], [sflag:$0x1], $0x80, $0x38;
	[tilespmem:$0x4400] =	vst v63  }
0x6d: {  	s31 =	sadd.s32 $0x320, s12;
	s30 =	sor.u32 $0x1C00, s13  }
0x6e: {  	[hbm4b:s31+s3] =	stream.linear.scatter [tilespmem:s30], [sflag:$0x1], $0x80, $0x38;
	[tilespmem:$0x4400] =	vst v63  }
0x6f: {  	s16 =	sadd.s32 $0x3A0, s12;
	s15 =	sor.u32 $0x2000, s13  }
0x70: {  	(v2sf) =	vpush v0, $0x3;
	[hbm4b:s16+s3] =	stream.linear.scatter [tilespmem:s15], [sflag:$0x1], $0x80, $0x38;
	[tilespmem:$0x4400] =	vst v63  }
0x71: {  	s17 =	sor.u32 $0x2400, s13;
	s18 =	sadd.s32 $0x420, s12  }
0x72: {  	[hbm4b:s18+s3] =	stream.linear.scatter [tilespmem:s17], [sflag:$0x1], $0x80, $0x38;
	[tilespmem:$0x4400] =	vst v63  }
0x73: {  	s19 =	sor.u32 $0x2800, s13;
	s20 =	sadd.s32 $0x4A0, s12  }
0x74: {  	[hbm4b:s20+s3] =	stream.linear.scatter [tilespmem:s19], [sflag:$0x1], $0x80, $0x38;
	[tilespmem:$0x4400] =	vst v63  }
0x75: {  	s21 =	sor.u32 $0x2C00, s13;
	s22 =	sadd.s32 $0x520, s12  }
0x76: {  	[hbm4b:s22+s3] =	stream.linear.scatter [tilespmem:s21], [sflag:$0x1], $0x80, $0x38;
	[tilespmem:$0x4400] =	vst v63  }
0x77: {  	s23 =	sor.u32 $0x3000, s13;
	s24 =	sadd.s32 $0x5A0, s12  }
0x78: {  	[hbm4b:s24+s3] =	stream.linear.scatter [tilespmem:s23], [sflag:$0x1], $0x80, $0x38;
	[tilespmem:$0x4400] =	vst v63  }
0x79: {  	s25 =	sor.u32 $0x3400, s13;
	s26 =	sadd.s32 $0x620, s12  }
0x7a: {  	[hbm4b:s26+s3] =	stream.linear.scatter [tilespmem:s25], [sflag:$0x1], $0x80, $0x38;
	[tilespmem:$0x4400] =	vst v63  }
0x7b: {  	s28 =	sor.u32 $0x3800, s13;
	s29 =	sadd.s32 $0x6A0, s12  }
0x7c: {  	[hbm4b:s29+s3] =	stream.linear.scatter [tilespmem:s28], [sflag:$0x1], $0x80, $0x38;
	[tilespmem:$0x4400] =	vst v63  }
0x7d: {  	s30 =	sor.u32 $0x3C00, s13;
	s31 =	sadd.s32 $0x720, s12  }
0x7e: {  	[hbm4b:s31+s3] =	stream.linear.scatter [tilespmem:s30], [sflag:$0x1], $0x80, $0x38;
	[tilespmem:$0x4400] =	vst v63  }
0x7f: {  	s13 =	sadd.s32 $0x4000, s13;
	s15 =	sadd.s32 $0x7A0, s12;
	s16 =	spop (v2sf)  }
0x80: {  	[hbm4b:s15+s3] =	stream.linear.scatter [tilespmem:s13], [sflag:$0x1], $0x80, $0x38;
	[tilespmem:$0x4400] =	vst v63  }
0x81: {  	s17 =	sshll.u32 s16, $0xB;
	s13 =	sshll.u32 s16, $0x7  }
0x82: {  	s14 =	sand.u32 $0xFFFFC000, s17;
	s13 =	sand.u32 $0x380, s13  }
0x83: {  	s13 =	sor.u32 s13, s14  }
0x84: {  	s18 =	sadd.s32 $0x30, s12;
	s14 =	sor.u32 $0x400, s13  }
0x85: {  	[hbm4b:s18+s3] =	stream.linear.scatter [tilespmem:s14], [sflag:$0x1], $0x80, $0x38;
	[tilespmem:$0x4400] =	vst v63  }
0x86: {  	s20 =	sadd.s32 $0xB0, s12;
	s19 =	sor.u32 $0x800, s13  }
0x87: {  	[hbm4b:s20+s3] =	stream.linear.scatter [tilespmem:s19], [sflag:$0x1], $0x80, $0x38;
	[tilespmem:$0x4400] =	vst v63  }
0x88: {  	s22 =	sadd.s32 $0x130, s12;
	s21 =	sor.u32 $0xC00, s13  }
0x89: {  	[hbm4b:s22+s3] =	stream.linear.scatter [tilespmem:s21], [sflag:$0x1], $0x80, $0x38;
	[tilespmem:$0x4400] =	vst v63  }
0x8a: {  	s24 =	sadd.s32 $0x1B0, s12;
	s23 =	sor.u32 $0x1000, s13  }
0x8b: {  	[hbm4b:s24+s3] =	stream.linear.scatter [tilespmem:s23], [sflag:$0x1], $0x80, $0x38;
	[tilespmem:$0x4400] =	vst v63  }
0x8c: {  	s26 =	sadd.s32 $0x230, s12;
	s25 =	sor.u32 $0x1400, s13  }
0x8d: {  	[hbm4b:s26+s3] =	stream.linear.scatter [tilespmem:s25], [sflag:$0x1], $0x80, $0x38;
	[tilespmem:$0x4400] =	vst v63  }
0x8e: {  	s29 =	sadd.s32 $0x2B0, s12;
	s28 =	sor.u32 $0x1800, s13  }
0x8f: {  	[hbm4b:s29+s3] =	stream.linear.scatter [tilespmem:s28], [sflag:$0x1], $0x80, $0x38;
	[tilespmem:$0x4400] =	vst v63  }
0x90: {  	s31 =	sadd.s32 $0x330, s12;
	s30 =	sor.u32 $0x1C00, s13  }
0x91: {  	[hbm4b:s31+s3] =	stream.linear.scatter [tilespmem:s30], [sflag:$0x1], $0x80, $0x38;
	[tilespmem:$0x4400] =	vst v63  }
0x92: {  	s16 =	sadd.s32 $0x3B0, s12;
	s15 =	sor.u32 $0x2000, s13  }
0x93: {  	(v2sf) =	vpush v0, $0x4;
	[hbm4b:s16+s3] =	stream.linear.scatter [tilespmem:s15], [sflag:$0x1], $0x80, $0x38;
	[tilespmem:$0x4400] =	vst v63  }
0x94: {  	s17 =	sor.u32 $0x2400, s13;
	s18 =	sadd.s32 $0x430, s12  }
0x95: {  	[hbm4b:s18+s3] =	stream.linear.scatter [tilespmem:s17], [sflag:$0x1], $0x80, $0x38;
	[tilespmem:$0x4400] =	vst v63  }
0x96: {  	s19 =	sor.u32 $0x2800, s13;
	s20 =	sadd.s32 $0x4B0, s12  }
0x97: {  	[hbm4b:s20+s3] =	stream.linear.scatter [tilespmem:s19], [sflag:$0x1], $0x80, $0x38;
	[tilespmem:$0x4400] =	vst v63  }
0x98: {  	s21 =	sor.u32 $0x2C00, s13;
	s22 =	sadd.s32 $0x530, s12  }
0x99: {  	[hbm4b:s22+s3] =	stream.linear.scatter [tilespmem:s21], [sflag:$0x1], $0x80, $0x38;
	[tilespmem:$0x4400] =	vst v63  }
0x9a: {  	s23 =	sor.u32 $0x3000, s13;
	s24 =	sadd.s32 $0x5B0, s12  }
0x9b: {  	[hbm4b:s24+s3] =	stream.linear.scatter [tilespmem:s23], [sflag:$0x1], $0x80, $0x38;
	[tilespmem:$0x4400] =	vst v63  }
0x9c: {  	s25 =	sor.u32 $0x3400, s13;
	s26 =	sadd.s32 $0x630, s12  }
0x9d: {  	[hbm4b:s26+s3] =	stream.linear.scatter [tilespmem:s25], [sflag:$0x1], $0x80, $0x38;
	[tilespmem:$0x4400] =	vst v63  }
0x9e: {  	s28 =	sor.u32 $0x3800, s13;
	s29 =	sadd.s32 $0x6B0, s12  }
0x9f: {  	[hbm4b:s29+s3] =	stream.linear.scatter [tilespmem:s28], [sflag:$0x1], $0x80, $0x38;
	[tilespmem:$0x4400] =	vst v63  }
0xa0: {  	s30 =	sor.u32 $0x3C00, s13;
	s31 =	sadd.s32 $0x730, s12  }
0xa1: {  	[hbm4b:s31+s3] =	stream.linear.scatter [tilespmem:s30], [sflag:$0x1], $0x80, $0x38;
	[tilespmem:$0x4400] =	vst v63  }
0xa2: {  	s13 =	sadd.s32 $0x4000, s13;
	s15 =	sadd.s32 $0x7B0, s12;
	s16 =	spop (v2sf)  }
0xa3: {  	[hbm4b:s15+s3] =	stream.linear.scatter [tilespmem:s13], [sflag:$0x1], $0x80, $0x38;
	[tilespmem:$0x4400] =	vst v63  }
0xa4: {  	s17 =	sshll.u32 s16, $0xB;
	s13 =	sshll.u32 s16, $0x7  }
0xa5: {  	s14 =	sand.u32 $0xFFFFC000, s17;
	s13 =	sand.u32 $0x380, s13  }
0xa6: {  	s13 =	sor.u32 s13, s14  }
0xa7: {  	s18 =	sadd.s32 $0x40, s12;
	s14 =	sor.u32 $0x400, s13  }
0xa8: {  	[hbm4b:s18+s3] =	stream.linear.scatter [tilespmem:s14], [sflag:$0x1], $0x80, $0x38;
	[tilespmem:$0x4400] =	vst v63  }
0xa9: {  	s20 =	sadd.s32 $0xC0, s12;
	s19 =	sor.u32 $0x800, s13  }
0xaa: {  	[hbm4b:s20+s3] =	stream.linear.scatter [tilespmem:s19], [sflag:$0x1], $0x80, $0x38;
	[tilespmem:$0x4400] =	vst v63  }
0xab: {  	s22 =	sadd.s32 $0x140, s12;
	s21 =	sor.u32 $0xC00, s13  }
0xac: {  	[hbm4b:s22+s3] =	stream.linear.scatter [tilespmem:s21], [sflag:$0x1], $0x80, $0x38;
	[tilespmem:$0x4400] =	vst v63  }
0xad: {  	s24 =	sadd.s32 $0x1C0, s12;
	s23 =	sor.u32 $0x1000, s13  }
0xae: {  	[hbm4b:s24+s3] =	stream.linear.scatter [tilespmem:s23], [sflag:$0x1], $0x80, $0x38;
	[tilespmem:$0x4400] =	vst v63  }
0xaf: {  	s26 =	sadd.s32 $0x240, s12;
	s25 =	sor.u32 $0x1400, s13  }
0xb0: {  	[hbm4b:s26+s3] =	stream.linear.scatter [tilespmem:s25], [sflag:$0x1], $0x80, $0x38;
	[tilespmem:$0x4400] =	vst v63  }
0xb1: {  	s29 =	sadd.s32 $0x2C0, s12;
	s28 =	sor.u32 $0x1800, s13  }
0xb2: {  	[hbm4b:s29+s3] =	stream.linear.scatter [tilespmem:s28], [sflag:$0x1], $0x80, $0x38;
	[tilespmem:$0x4400] =	vst v63  }
0xb3: {  	s31 =	sadd.s32 $0x340, s12;
	s30 =	sor.u32 $0x1C00, s13  }
0xb4: {  	[hbm4b:s31+s3] =	stream.linear.scatter [tilespmem:s30], [sflag:$0x1], $0x80, $0x38;
	[tilespmem:$0x4400] =	vst v63  }
0xb5: {  	s16 =	sadd.s32 $0x3C0, s12;
	s15 =	sor.u32 $0x2000, s13  }
0xb6: {  	(v2sf) =	vpush v0, $0x5;
	[hbm4b:s16+s3] =	stream.linear.scatter [tilespmem:s15], [sflag:$0x1], $0x80, $0x38;
	[tilespmem:$0x4400] =	vst v63  }
0xb7: {  	s17 =	sor.u32 $0x2400, s13;
	s18 =	sadd.s32 $0x440, s12  }
0xb8: {  	[hbm4b:s18+s3] =	stream.linear.scatter [tilespmem:s17], [sflag:$0x1], $0x80, $0x38;
	[tilespmem:$0x4400] =	vst v63  }
0xb9: {  	s19 =	sor.u32 $0x2800, s13;
	s20 =	sadd.s32 $0x4C0, s12  }
0xba: {  	[hbm4b:s20+s3] =	stream.linear.scatter [tilespmem:s19], [sflag:$0x1], $0x80, $0x38;
	[tilespmem:$0x4400] =	vst v63  }
0xbb: {  	s21 =	sor.u32 $0x2C00, s13;
	s22 =	sadd.s32 $0x540, s12  }
0xbc: {  	[hbm4b:s22+s3] =	stream.linear.scatter [tilespmem:s21], [sflag:$0x1], $0x80, $0x38;
	[tilespmem:$0x4400] =	vst v63  }
0xbd: {  	s23 =	sor.u32 $0x3000, s13;
	s24 =	sadd.s32 $0x5C0, s12  }
0xbe: {  	[hbm4b:s24+s3] =	stream.linear.scatter [tilespmem:s23], [sflag:$0x1], $0x80, $0x38;
	[tilespmem:$0x4400] =	vst v63  }
0xbf: {  	s25 =	sor.u32 $0x3400, s13;
	s26 =	sadd.s32 $0x640, s12  }
0xc0: {  	[hbm4b:s26+s3] =	stream.linear.scatter [tilespmem:s25], [sflag:$0x1], $0x80, $0x38;
	[tilespmem:$0x4400] =	vst v63  }
0xc1: {  	s28 =	sor.u32 $0x3800, s13;
	s29 =	sadd.s32 $0x6C0, s12  }
0xc2: {  	[hbm4b:s29+s3] =	stream.linear.scatter [tilespmem:s28], [sflag:$0x1], $0x80, $0x38;
	[tilespmem:$0x4400] =	vst v63  }
0xc3: {  	s30 =	sor.u32 $0x3C00, s13;
	s31 =	sadd.s32 $0x740, s12  }
0xc4: {  	[hbm4b:s31+s3] =	stream.linear.scatter [tilespmem:s30], [sflag:$0x1], $0x80, $0x38;
	[tilespmem:$0x4400] =	vst v63  }
0xc5: {  	s13 =	sadd.s32 $0x4000, s13;
	s15 =	sadd.s32 $0x7C0, s12;
	s16 =	spop (v2sf)  }
0xc6: {  	[hbm4b:s15+s3] =	stream.linear.scatter [tilespmem:s13], [sflag:$0x1], $0x80, $0x38;
	[tilespmem:$0x4400] =	vst v63  }
0xc7: {  	s17 =	sshll.u32 s16, $0xB;
	s13 =	sshll.u32 s16, $0x7  }
0xc8: {  	s14 =	sand.u32 $0xFFFFC000, s17;
	s13 =	sand.u32 $0x380, s13  }
0xc9: {  	s13 =	sor.u32 s13, s14  }
0xca: {  	s18 =	sadd.s32 $0x50, s12;
	s14 =	sor.u32 $0x400, s13  }
0xcb: {  	[hbm4b:s18+s3] =	stream.linear.scatter [tilespmem:s14], [sflag:$0x1], $0x80, $0x38;
	[tilespmem:$0x4400] =	vst v63  }
0xcc: {  	s20 =	sadd.s32 $0xD0, s12;
	s19 =	sor.u32 $0x800, s13  }
0xcd: {  	[hbm4b:s20+s3] =	stream.linear.scatter [tilespmem:s19], [sflag:$0x1], $0x80, $0x38;
	[tilespmem:$0x4400] =	vst v63  }
0xce: {  	s22 =	sadd.s32 $0x150, s12;
	s21 =	sor.u32 $0xC00, s13  }
0xcf: {  	[hbm4b:s22+s3] =	stream.linear.scatter [tilespmem:s21], [sflag:$0x1], $0x80, $0x38;
	[tilespmem:$0x4400] =	vst v63  }
0xd0: {  	s24 =	sadd.s32 $0x1D0, s12;
	s23 =	sor.u32 $0x1000, s13  }
0xd1: {  	[hbm4b:s24+s3] =	stream.linear.scatter [tilespmem:s23], [sflag:$0x1], $0x80, $0x38;
	[tilespmem:$0x4400] =	vst v63  }
0xd2: {  	s26 =	sadd.s32 $0x250, s12;
	s25 =	sor.u32 $0x1400, s13  }
0xd3: {  	[hbm4b:s26+s3] =	stream.linear.scatter [tilespmem:s25], [sflag:$0x1], $0x80, $0x38;
	[tilespmem:$0x4400] =	vst v63  }
0xd4: {  	s29 =	sadd.s32 $0x2D0, s12;
	s28 =	sor.u32 $0x1800, s13  }
0xd5: {  	[hbm4b:s29+s3] =	stream.linear.scatter [tilespmem:s28], [sflag:$0x1], $0x80, $0x38;
	[tilespmem:$0x4400] =	vst v63  }
0xd6: {  	s31 =	sadd.s32 $0x350, s12;
	s30 =	sor.u32 $0x1C00, s13  }
0xd7: {  	[hbm4b:s31+s3] =	stream.linear.scatter [tilespmem:s30], [sflag:$0x1], $0x80, $0x38;
	[tilespmem:$0x4400] =	vst v63  }
0xd8: {  	s16 =	sadd.s32 $0x3D0, s12;
	s15 =	sor.u32 $0x2000, s13  }
0xd9: {  	(v2sf) =	vpush v0, $0x6;
	[hbm4b:s16+s3] =	stream.linear.scatter [tilespmem:s15], [sflag:$0x1], $0x80, $0x38;
	[tilespmem:$0x4400] =	vst v63  }
0xda: {  	s17 =	sor.u32 $0x2400, s13;
	s18 =	sadd.s32 $0x450, s12  }
0xdb: {  	[hbm4b:s18+s3] =	stream.linear.scatter [tilespmem:s17], [sflag:$0x1], $0x80, $0x38;
	[tilespmem:$0x4400] =	vst v63  }
0xdc: {  	s19 =	sor.u32 $0x2800, s13;
	s20 =	sadd.s32 $0x4D0, s12  }
0xdd: {  	[hbm4b:s20+s3] =	stream.linear.scatter [tilespmem:s19], [sflag:$0x1], $0x80, $0x38;
	[tilespmem:$0x4400] =	vst v63  }
0xde: {  	s21 =	sor.u32 $0x2C00, s13;
	s22 =	sadd.s32 $0x550, s12  }
0xdf: {  	[hbm4b:s22+s3] =	stream.linear.scatter [tilespmem:s21], [sflag:$0x1], $0x80, $0x38;
	[tilespmem:$0x4400] =	vst v63  }
0xe0: {  	s23 =	sor.u32 $0x3000, s13;
	s24 =	sadd.s32 $0x5D0, s12  }
0xe1: {  	[hbm4b:s24+s3] =	stream.linear.scatter [tilespmem:s23], [sflag:$0x1], $0x80, $0x38;
	[tilespmem:$0x4400] =	vst v63  }
0xe2: {  	s25 =	sor.u32 $0x3400, s13;
	s26 =	sadd.s32 $0x650, s12  }
0xe3: {  	[hbm4b:s26+s3] =	stream.linear.scatter [tilespmem:s25], [sflag:$0x1], $0x80, $0x38;
	[tilespmem:$0x4400] =	vst v63  }
0xe4: {  	s28 =	sor.u32 $0x3800, s13;
	s29 =	sadd.s32 $0x6D0, s12  }
0xe5: {  	[hbm4b:s29+s3] =	stream.linear.scatter [tilespmem:s28], [sflag:$0x1], $0x80, $0x38;
	[tilespmem:$0x4400] =	vst v63  }
0xe6: {  	s30 =	sor.u32 $0x3C00, s13;
	s31 =	sadd.s32 $0x750, s12  }
0xe7: {  	[hbm4b:s31+s3] =	stream.linear.scatter [tilespmem:s30], [sflag:$0x1], $0x80, $0x38;
	[tilespmem:$0x4400] =	vst v63  }
0xe8: {  	s13 =	sadd.s32 $0x4000, s13;
	s15 =	sadd.s32 $0x7D0, s12;
	s16 =	spop (v2sf)  }
0xe9: {  	[hbm4b:s15+s3] =	stream.linear.scatter [tilespmem:s13], [sflag:$0x1], $0x80, $0x38;
	[tilespmem:$0x4400] =	vst v63  }
0xea: {  	s17 =	sshll.u32 s16, $0xB;
	s13 =	sshll.u32 s16, $0x7  }
0xeb: {  	s14 =	sand.u32 $0xFFFFC000, s17;
	s13 =	sand.u32 $0x380, s13  }
0xec: {  	s13 =	sor.u32 s13, s14  }
0xed: {  	s18 =	sadd.s32 $0x60, s12;
	s14 =	sor.u32 $0x400, s13  }
0xee: {  	[hbm4b:s18+s3] =	stream.linear.scatter [tilespmem:s14], [sflag:$0x1], $0x80, $0x38;
	[tilespmem:$0x4400] =	vst v63  }
0xef: {  	s20 =	sadd.s32 $0xE0, s12;
	s19 =	sor.u32 $0x800, s13  }
0xf0: {  	[hbm4b:s20+s3] =	stream.linear.scatter [tilespmem:s19], [sflag:$0x1], $0x80, $0x38;
	[tilespmem:$0x4400] =	vst v63  }
0xf1: {  	s22 =	sadd.s32 $0x160, s12;
	s21 =	sor.u32 $0xC00, s13  }
0xf2: {  	[hbm4b:s22+s3] =	stream.linear.scatter [tilespmem:s21], [sflag:$0x1], $0x80, $0x38;
	[tilespmem:$0x4400] =	vst v63  }
0xf3: {  	s24 =	sadd.s32 $0x1E0, s12;
	s23 =	sor.u32 $0x1000, s13  }
0xf4: {  	[hbm4b:s24+s3] =	stream.linear.scatter [tilespmem:s23], [sflag:$0x1], $0x80, $0x38;
	[tilespmem:$0x4400] =	vst v63  }
0xf5: {  	s26 =	sadd.s32 $0x260, s12;
	s25 =	sor.u32 $0x1400, s13  }
0xf6: {  	[hbm4b:s26+s3] =	stream.linear.scatter [tilespmem:s25], [sflag:$0x1], $0x80, $0x38;
	[tilespmem:$0x4400] =	vst v63  }
0xf7: {  	s29 =	sadd.s32 $0x2E0, s12;
	s28 =	sor.u32 $0x1800, s13  }
0xf8: {  	[hbm4b:s29+s3] =	stream.linear.scatter [tilespmem:s28], [sflag:$0x1], $0x80, $0x38;
	[tilespmem:$0x4400] =	vst v63  }
0xf9: {  	s31 =	sadd.s32 $0x360, s12;
	s30 =	sor.u32 $0x1C00, s13  }
0xfa: {  	[hbm4b:s31+s3] =	stream.linear.scatter [tilespmem:s30], [sflag:$0x1], $0x80, $0x38;
	[tilespmem:$0x4400] =	vst v63  }
0xfb: {  	s16 =	sadd.s32 $0x3E0, s12;
	s15 =	sor.u32 $0x2000, s13  }
0xfc: {  	(v2sf) =	vpush v0, $0x7;
	[hbm4b:s16+s3] =	stream.linear.scatter [tilespmem:s15], [sflag:$0x1], $0x80, $0x38;
	[tilespmem:$0x4400] =	vst v63  }
0xfd: {  	s17 =	sor.u32 $0x2400, s13;
	s18 =	sadd.s32 $0x460, s12  }
0xfe: {  	[hbm4b:s18+s3] =	stream.linear.scatter [tilespmem:s17], [sflag:$0x1], $0x80, $0x38;
	[tilespmem:$0x4400] =	vst v63  }
0xff: {  	s19 =	sor.u32 $0x2800, s13;
	s20 =	sadd.s32 $0x4E0, s12  }
0x100: {  	[hbm4b:s20+s3] =	stream.linear.scatter [tilespmem:s19], [sflag:$0x1], $0x80, $0x38;
	[tilespmem:$0x4400] =	vst v63  }
0x101: {  	s21 =	sor.u32 $0x2C00, s13;
	s22 =	sadd.s32 $0x560, s12  }
0x102: {  	[hbm4b:s22+s3] =	stream.linear.scatter [tilespmem:s21], [sflag:$0x1], $0x80, $0x38;
	[tilespmem:$0x4400] =	vst v63  }
0x103: {  	s23 =	sor.u32 $0x3000, s13;
	s24 =	sadd.s32 $0x5E0, s12  }
0x104: {  	[hbm4b:s24+s3] =	stream.linear.scatter [tilespmem:s23], [sflag:$0x1], $0x80, $0x38;
	[tilespmem:$0x4400] =	vst v63  }
0x105: {  	s25 =	sor.u32 $0x3400, s13;
	s26 =	sadd.s32 $0x660, s12  }
0x106: {  	[hbm4b:s26+s3] =	stream.linear.scatter [tilespmem:s25], [sflag:$0x1], $0x80, $0x38;
	[tilespmem:$0x4400] =	vst v63  }
0x107: {  	s28 =	sor.u32 $0x3800, s13;
	s29 =	sadd.s32 $0x6E0, s12  }
0x108: {  	[hbm4b:s29+s3] =	stream.linear.scatter [tilespmem:s28], [sflag:$0x1], $0x80, $0x38;
	[tilespmem:$0x4400] =	vst v63  }
0x109: {  	s30 =	sor.u32 $0x3C00, s13;
	s31 =	sadd.s32 $0x760, s12  }
0x10a: {  	[hbm4b:s31+s3] =	stream.linear.scatter [tilespmem:s30], [sflag:$0x1], $0x80, $0x38;
	[tilespmem:$0x4400] =	vst v63  }
0x10b: {  	s13 =	sadd.s32 $0x4000, s13;
	s15 =	sadd.s32 $0x7E0, s12;
	s16 =	spop (v2sf)  }
0x10c: {  	[hbm4b:s15+s3] =	stream.linear.scatter [tilespmem:s13], [sflag:$0x1], $0x80, $0x38;
	[tilespmem:$0x4400] =	vst v63  }
0x10d: {  	s17 =	sshll.u32 s16, $0xB;
	s13 =	sshll.u32 s16, $0x7  }
0x10e: {  	s14 =	sand.u32 $0xFFFFC000, s17;
	s13 =	sand.u32 $0x380, s13  }
0x10f: {  	s13 =	sor.u32 s13, s14  }
0x110: {  	s18 =	sadd.s32 $0x70, s12;
	s14 =	sor.u32 $0x400, s13  }
0x111: {  	[hbm4b:s18+s3] =	stream.linear.scatter [tilespmem:s14], [sflag:$0x1], $0x80, $0x38;
	[tilespmem:$0x4400] =	vst v63  }
0x112: {  	s20 =	sadd.s32 $0xF0, s12;
	s19 =	sor.u32 $0x800, s13  }
0x113: {  	[hbm4b:s20+s3] =	stream.linear.scatter [tilespmem:s19], [sflag:$0x1], $0x80, $0x38;
	[tilespmem:$0x4400] =	vst v63  }
0x114: {  	s22 =	sadd.s32 $0x170, s12;
	s21 =	sor.u32 $0xC00, s13  }
0x115: {  	[hbm4b:s22+s3] =	stream.linear.scatter [tilespmem:s21], [sflag:$0x1], $0x80, $0x38;
	[tilespmem:$0x4400] =	vst v63  }
0x116: {  	s24 =	sadd.s32 $0x1F0, s12;
	s23 =	sor.u32 $0x1000, s13  }
0x117: {  	[hbm4b:s24+s3] =	stream.linear.scatter [tilespmem:s23], [sflag:$0x1], $0x80, $0x38;
	[tilespmem:$0x4400] =	vst v63  }
0x118: {  	s26 =	sadd.s32 $0x270, s12;
	s25 =	sor.u32 $0x1400, s13  }
0x119: {  	[hbm4b:s26+s3] =	stream.linear.scatter [tilespmem:s25], [sflag:$0x1], $0x80, $0x38;
	[tilespmem:$0x4400] =	vst v63  }
0x11a: {  	s29 =	sadd.s32 $0x2F0, s12;
	s28 =	sor.u32 $0x1800, s13  }
0x11b: {  	[hbm4b:s29+s3] =	stream.linear.scatter [tilespmem:s28], [sflag:$0x1], $0x80, $0x38;
	[tilespmem:$0x4400] =	vst v63  }
0x11c: {  	s31 =	sadd.s32 $0x370, s12;
	s30 =	sor.u32 $0x1C00, s13  }
0x11d: {  	[hbm4b:s31+s3] =	stream.linear.scatter [tilespmem:s30], [sflag:$0x1], $0x80, $0x38;
	[tilespmem:$0x4400] =	vst v63  }
0x11e: {  	s16 =	sadd.s32 $0x3F0, s12;
	s15 =	sor.u32 $0x2000, s13  }
0x11f: {  	(v2sf) =	vpush v0, $0x8;
	[hbm4b:s16+s3] =	stream.linear.scatter [tilespmem:s15], [sflag:$0x1], $0x80, $0x38;
	[tilespmem:$0x4400] =	vst v63  }
0x120: {  	s17 =	sor.u32 $0x2400, s13;
	s18 =	sadd.s32 $0x470, s12  }
0x121: {  	[hbm4b:s18+s3] =	stream.linear.scatter [tilespmem:s17], [sflag:$0x1], $0x80, $0x38;
	[tilespmem:$0x4400] =	vst v63  }
0x122: {  	s19 =	sor.u32 $0x2800, s13;
	s20 =	sadd.s32 $0x4F0, s12  }
0x123: {  	[hbm4b:s20+s3] =	stream.linear.scatter [tilespmem:s19], [sflag:$0x1], $0x80, $0x38;
	[tilespmem:$0x4400] =	vst v63  }
0x124: {  	s21 =	sor.u32 $0x2C00, s13;
	s22 =	sadd.s32 $0x570, s12  }
0x125: {  	[hbm4b:s22+s3] =	stream.linear.scatter [tilespmem:s21], [sflag:$0x1], $0x80, $0x38;
	[tilespmem:$0x4400] =	vst v63  }
0x126: {  	s23 =	sor.u32 $0x3000, s13;
	s24 =	sadd.s32 $0x5F0, s12  }
0x127: {  	[hbm4b:s24+s3] =	stream.linear.scatter [tilespmem:s23], [sflag:$0x1], $0x80, $0x38;
	[tilespmem:$0x4400] =	vst v63  }
0x128: {  	s25 =	sor.u32 $0x3400, s13;
	s26 =	sadd.s32 $0x670, s12  }
0x129: {  	[hbm4b:s26+s3] =	stream.linear.scatter [tilespmem:s25], [sflag:$0x1], $0x80, $0x38;
	[tilespmem:$0x4400] =	vst v63  }
0x12a: {  	s28 =	sor.u32 $0x3800, s13;
	s29 =	sadd.s32 $0x6F0, s12  }
0x12b: {  	[hbm4b:s29+s3] =	stream.linear.scatter [tilespmem:s28], [sflag:$0x1], $0x80, $0x38;
	[tilespmem:$0x4400] =	vst v63  }
0x12c: {  	s30 =	sor.u32 $0x3C00, s13;
	s31 =	sadd.s32 $0x770, s12  }
0x12d: {  	[hbm4b:s31+s3] =	stream.linear.scatter [tilespmem:s30], [sflag:$0x1], $0x80, $0x38;
	[tilespmem:$0x4400] =	vst v63  }
0x12e: {  	s13 =	sadd.s32 $0x4000, s13;
	s15 =	sadd.s32 $0x7F0, s12;
	s16 =	spop (v2sf)  }
0x12f: {  	[hbm4b:s15+s3] =	stream.linear.scatter [tilespmem:s13], [sflag:$0x1], $0x80, $0x38;
	[tilespmem:$0x4400] =	vst v63  }
0x130: {  	s17 =	sshll.u32 s16, $0xB;
	s13 =	sshll.u32 s16, $0x7  }
0x131: {  	s14 =	sand.u32 $0xFFFFC000, s17;
	s13 =	sand.u32 $0x380, s13  }
0x132: {  	s13 =	sor.u32 s13, s14  }
0x133: {  	s18 =	sadd.s32 $0x800, s12;
	s14 =	sor.u32 $0x400, s13  }
0x134: {  	[hbm4b:s18+s3] =	stream.linear.scatter [tilespmem:s14], [sflag:$0x1], $0x80, $0x38;
	[tilespmem:$0x4400] =	vst v63  }
0x135: {  	s20 =	sadd.s32 $0x880, s12;
	s19 =	sor.u32 $0x800, s13  }
0x136: {  	[hbm4b:s20+s3] =	stream.linear.scatter [tilespmem:s19], [sflag:$0x1], $0x80, $0x38;
	[tilespmem:$0x4400] =	vst v63  }
0x137: {  	s22 =	sadd.s32 $0x900, s12;
	s21 =	sor.u32 $0xC00, s13  }
0x138: {  	[hbm4b:s22+s3] =	stream.linear.scatter [tilespmem:s21], [sflag:$0x1], $0x80, $0x38;
	[tilespmem:$0x4400] =	vst v63  }
0x139: {  	s24 =	sadd.s32 $0x980, s12;
	s23 =	sor.u32 $0x1000, s13  }
0x13a: {  	[hbm4b:s24+s3] =	stream.linear.scatter [tilespmem:s23], [sflag:$0x1], $0x80, $0x38;
	[tilespmem:$0x4400] =	vst v63  }
0x13b: {  	s26 =	sadd.s32 $0xA00, s12;
	s25 =	sor.u32 $0x1400, s13  }
0x13c: {  	[hbm4b:s26+s3] =	stream.linear.scatter [tilespmem:s25], [sflag:$0x1], $0x80, $0x38;
	[tilespmem:$0x4400] =	vst v63  }
0x13d: {  	s29 =	sadd.s32 $0xA80, s12;
	s28 =	sor.u32 $0x1800, s13  }
0x13e: {  	[hbm4b:s29+s3] =	stream.linear.scatter [tilespmem:s28], [sflag:$0x1], $0x80, $0x38;
	[tilespmem:$0x4400] =	vst v63  }
0x13f: {  	s31 =	sadd.s32 $0xB00, s12;
	s30 =	sor.u32 $0x1C00, s13  }
0x140: {  	[hbm4b:s31+s3] =	stream.linear.scatter [tilespmem:s30], [sflag:$0x1], $0x80, $0x38;
	[tilespmem:$0x4400] =	vst v63  }
0x141: {  	s16 =	sadd.s32 $0xB80, s12;
	s15 =	sor.u32 $0x2000, s13  }
0x142: {  	(v2sf) =	vpush v0, $0x9;
	[hbm4b:s16+s3] =	stream.linear.scatter [tilespmem:s15], [sflag:$0x1], $0x80, $0x38;
	[tilespmem:$0x4400] =	vst v63  }
0x143: {  	s17 =	sor.u32 $0x2400, s13;
	s18 =	sadd.s32 $0xC00, s12  }
0x144: {  	[hbm4b:s18+s3] =	stream.linear.scatter [tilespmem:s17], [sflag:$0x1], $0x80, $0x38;
	[tilespmem:$0x4400] =	vst v63  }
0x145: {  	s19 =	sor.u32 $0x2800, s13;
	s20 =	sadd.s32 $0xC80, s12  }
0x146: {  	[hbm4b:s20+s3] =	stream.linear.scatter [tilespmem:s19], [sflag:$0x1], $0x80, $0x38;
	[tilespmem:$0x4400] =	vst v63  }
0x147: {  	s21 =	sor.u32 $0x2C00, s13;
	s22 =	sadd.s32 $0xD00, s12  }
0x148: {  	[hbm4b:s22+s3] =	stream.linear.scatter [tilespmem:s21], [sflag:$0x1], $0x80, $0x38;
	[tilespmem:$0x4400] =	vst v63  }
0x149: {  	s23 =	sor.u32 $0x3000, s13;
	s24 =	sadd.s32 $0xD80, s12  }
0x14a: {  	[hbm4b:s24+s3] =	stream.linear.scatter [tilespmem:s23], [sflag:$0x1], $0x80, $0x38;
	[tilespmem:$0x4400] =	vst v63  }
0x14b: {  	s25 =	sor.u32 $0x3400, s13;
	s26 =	sadd.s32 $0xE00, s12  }
0x14c: {  	[hbm4b:s26+s3] =	stream.linear.scatter [tilespmem:s25], [sflag:$0x1], $0x80, $0x38;
	[tilespmem:$0x4400] =	vst v63  }
0x14d: {  	s28 =	sor.u32 $0x3800, s13;
	s29 =	sadd.s32 $0xE80, s12  }
0x14e: {  	[hbm4b:s29+s3] =	stream.linear.scatter [tilespmem:s28], [sflag:$0x1], $0x80, $0x38;
	[tilespmem:$0x4400] =	vst v63  }
0x14f: {  	s30 =	sor.u32 $0x3C00, s13;
	s31 =	sadd.s32 $0xF00, s12  }
0x150: {  	[hbm4b:s31+s3] =	stream.linear.scatter [tilespmem:s30], [sflag:$0x1], $0x80, $0x38;
	[tilespmem:$0x4400] =	vst v63  }
0x151: {  	s13 =	sadd.s32 $0x4000, s13;
	s15 =	sadd.s32 $0xF80, s12;
	s16 =	spop (v2sf)  }
0x152: {  	[hbm4b:s15+s3] =	stream.linear.scatter [tilespmem:s13], [sflag:$0x1], $0x80, $0x38;
	[tilespmem:$0x4400] =	vst v63  }
0x153: {  	s17 =	sshll.u32 s16, $0xB;
	s13 =	sshll.u32 s16, $0x7  }
0x154: {  	s14 =	sand.u32 $0xFFFFC000, s17;
	s13 =	sand.u32 $0x380, s13  }
0x155: {  	s13 =	sor.u32 s13, s14  }
0x156: {  	s18 =	sadd.s32 $0x810, s12;
	s14 =	sor.u32 $0x400, s13  }
0x157: {  	[hbm4b:s18+s3] =	stream.linear.scatter [tilespmem:s14], [sflag:$0x1], $0x80, $0x38;
	[tilespmem:$0x4400] =	vst v63  }
0x158: {  	s20 =	sadd.s32 $0x890, s12;
	s19 =	sor.u32 $0x800, s13  }
0x159: {  	[hbm4b:s20+s3] =	stream.linear.scatter [tilespmem:s19], [sflag:$0x1], $0x80, $0x38;
	[tilespmem:$0x4400] =	vst v63  }
0x15a: {  	s22 =	sadd.s32 $0x910, s12;
	s21 =	sor.u32 $0xC00, s13  }
0x15b: {  	[hbm4b:s22+s3] =	stream.linear.scatter [tilespmem:s21], [sflag:$0x1], $0x80, $0x38;
	[tilespmem:$0x4400] =	vst v63  }
0x15c: {  	s24 =	sadd.s32 $0x990, s12;
	s23 =	sor.u32 $0x1000, s13  }
0x15d: {  	[hbm4b:s24+s3] =	stream.linear.scatter [tilespmem:s23], [sflag:$0x1], $0x80, $0x38;
	[tilespmem:$0x4400] =	vst v63  }
0x15e: {  	s26 =	sadd.s32 $0xA10, s12;
	s25 =	sor.u32 $0x1400, s13  }
0x15f: {  	[hbm4b:s26+s3] =	stream.linear.scatter [tilespmem:s25], [sflag:$0x1], $0x80, $0x38;
	[tilespmem:$0x4400] =	vst v63  }
0x160: {  	s29 =	sadd.s32 $0xA90, s12;
	s28 =	sor.u32 $0x1800, s13  }
0x161: {  	[hbm4b:s29+s3] =	stream.linear.scatter [tilespmem:s28], [sflag:$0x1], $0x80, $0x38;
	[tilespmem:$0x4400] =	vst v63  }
0x162: {  	s31 =	sadd.s32 $0xB10, s12;
	s30 =	sor.u32 $0x1C00, s13  }
0x163: {  	[hbm4b:s31+s3] =	stream.linear.scatter [tilespmem:s30], [sflag:$0x1], $0x80, $0x38;
	[tilespmem:$0x4400] =	vst v63  }
0x164: {  	s16 =	sadd.s32 $0xB90, s12;
	s15 =	sor.u32 $0x2000, s13  }
0x165: {  	(v2sf) =	vpush v0, $0xA;
	[hbm4b:s16+s3] =	stream.linear.scatter [tilespmem:s15], [sflag:$0x1], $0x80, $0x38;
	[tilespmem:$0x4400] =	vst v63  }
0x166: {  	s17 =	sor.u32 $0x2400, s13;
	s18 =	sadd.s32 $0xC10, s12  }
0x167: {  	[hbm4b:s18+s3] =	stream.linear.scatter [tilespmem:s17], [sflag:$0x1], $0x80, $0x38;
	[tilespmem:$0x4400] =	vst v63  }
0x168: {  	s19 =	sor.u32 $0x2800, s13;
	s20 =	sadd.s32 $0xC90, s12  }
0x169: {  	[hbm4b:s20+s3] =	stream.linear.scatter [tilespmem:s19], [sflag:$0x1], $0x80, $0x38;
	[tilespmem:$0x4400] =	vst v63  }
0x16a: {  	s21 =	sor.u32 $0x2C00, s13;
	s22 =	sadd.s32 $0xD10, s12  }
0x16b: {  	[hbm4b:s22+s3] =	stream.linear.scatter [tilespmem:s21], [sflag:$0x1], $0x80, $0x38;
	[tilespmem:$0x4400] =	vst v63  }
0x16c: {  	s23 =	sor.u32 $0x3000, s13;
	s24 =	sadd.s32 $0xD90, s12  }
0x16d: {  	[hbm4b:s24+s3] =	stream.linear.scatter [tilespmem:s23], [sflag:$0x1], $0x80, $0x38;
	[tilespmem:$0x4400] =	vst v63  }
0x16e: {  	s25 =	sor.u32 $0x3400, s13;
	s26 =	sadd.s32 $0xE10, s12  }
0x16f: {  	[hbm4b:s26+s3] =	stream.linear.scatter [tilespmem:s25], [sflag:$0x1], $0x80, $0x38;
	[tilespmem:$0x4400] =	vst v63  }
0x170: {  	s28 =	sor.u32 $0x3800, s13;
	s29 =	sadd.s32 $0xE90, s12  }
0x171: {  	[hbm4b:s29+s3] =	stream.linear.scatter [tilespmem:s28], [sflag:$0x1], $0x80, $0x38;
	[tilespmem:$0x4400] =	vst v63  }
0x172: {  	s30 =	sor.u32 $0x3C00, s13;
	s31 =	sadd.s32 $0xF10, s12  }
0x173: {  	[hbm4b:s31+s3] =	stream.linear.scatter [tilespmem:s30], [sflag:$0x1], $0x80, $0x38;
	[tilespmem:$0x4400] =	vst v63  }
0x174: {  	s13 =	sadd.s32 $0x4000, s13;
	s15 =	sadd.s32 $0xF90, s12;
	s16 =	spop (v2sf)  }
0x175: {  	[hbm4b:s15+s3] =	stream.linear.scatter [tilespmem:s13], [sflag:$0x1], $0x80, $0x38;
	[tilespmem:$0x4400] =	vst v63  }
0x176: {  	s17 =	sshll.u32 s16, $0xB;
	s13 =	sshll.u32 s16, $0x7  }
0x177: {  	s14 =	sand.u32 $0xFFFFC000, s17;
	s13 =	sand.u32 $0x380, s13  }
0x178: {  	s13 =	sor.u32 s13, s14  }
0x179: {  	s18 =	sadd.s32 $0x820, s12;
	s14 =	sor.u32 $0x400, s13  }
0x17a: {  	[hbm4b:s18+s3] =	stream.linear.scatter [tilespmem:s14], [sflag:$0x1], $0x80, $0x38;
	[tilespmem:$0x4400] =	vst v63  }
0x17b: {  	s20 =	sadd.s32 $0x8A0, s12;
	s19 =	sor.u32 $0x800, s13  }
0x17c: {  	[hbm4b:s20+s3] =	stream.linear.scatter [tilespmem:s19], [sflag:$0x1], $0x80, $0x38;
	[tilespmem:$0x4400] =	vst v63  }
0x17d: {  	s22 =	sadd.s32 $0x920, s12;
	s21 =	sor.u32 $0xC00, s13  }
0x17e: {  	[hbm4b:s22+s3] =	stream.linear.scatter [tilespmem:s21], [sflag:$0x1], $0x80, $0x38;
	[tilespmem:$0x4400] =	vst v63  }
0x17f: {  	s24 =	sadd.s32 $0x9A0, s12;
	s23 =	sor.u32 $0x1000, s13  }
0x180: {  	[hbm4b:s24+s3] =	stream.linear.scatter [tilespmem:s23], [sflag:$0x1], $0x80, $0x38;
	[tilespmem:$0x4400] =	vst v63  }
0x181: {  	s26 =	sadd.s32 $0xA20, s12;
	s25 =	sor.u32 $0x1400, s13  }
0x182: {  	[hbm4b:s26+s3] =	stream.linear.scatter [tilespmem:s25], [sflag:$0x1], $0x80, $0x38;
	[tilespmem:$0x4400] =	vst v63  }
0x183: {  	s29 =	sadd.s32 $0xAA0, s12;
	s28 =	sor.u32 $0x1800, s13  }
0x184: {  	[hbm4b:s29+s3] =	stream.linear.scatter [tilespmem:s28], [sflag:$0x1], $0x80, $0x38;
	[tilespmem:$0x4400] =	vst v63  }
0x185: {  	s31 =	sadd.s32 $0xB20, s12;
	s30 =	sor.u32 $0x1C00, s13  }
0x186: {  	[hbm4b:s31+s3] =	stream.linear.scatter [tilespmem:s30], [sflag:$0x1], $0x80, $0x38;
	[tilespmem:$0x4400] =	vst v63  }
0x187: {  	s16 =	sadd.s32 $0xBA0, s12;
	s15 =	sor.u32 $0x2000, s13  }
0x188: {  	(v2sf) =	vpush v0, $0xB;
	[hbm4b:s16+s3] =	stream.linear.scatter [tilespmem:s15], [sflag:$0x1], $0x80, $0x38;
	[tilespmem:$0x4400] =	vst v63  }
0x189: {  	s17 =	sor.u32 $0x2400, s13;
	s18 =	sadd.s32 $0xC20, s12  }
0x18a: {  	[hbm4b:s18+s3] =	stream.linear.scatter [tilespmem:s17], [sflag:$0x1], $0x80, $0x38;
	[tilespmem:$0x4400] =	vst v63  }
0x18b: {  	s19 =	sor.u32 $0x2800, s13;
	s20 =	sadd.s32 $0xCA0, s12  }
0x18c: {  	[hbm4b:s20+s3] =	stream.linear.scatter [tilespmem:s19], [sflag:$0x1], $0x80, $0x38;
	[tilespmem:$0x4400] =	vst v63  }
0x18d: {  	s21 =	sor.u32 $0x2C00, s13;
	s22 =	sadd.s32 $0xD20, s12  }
0x18e: {  	[hbm4b:s22+s3] =	stream.linear.scatter [tilespmem:s21], [sflag:$0x1], $0x80, $0x38;
	[tilespmem:$0x4400] =	vst v63  }
0x18f: {  	s23 =	sor.u32 $0x3000, s13;
	s24 =	sadd.s32 $0xDA0, s12  }
0x190: {  	[hbm4b:s24+s3] =	stream.linear.scatter [tilespmem:s23], [sflag:$0x1], $0x80, $0x38;
	[tilespmem:$0x4400] =	vst v63  }
0x191: {  	s25 =	sor.u32 $0x3400, s13;
	s26 =	sadd.s32 $0xE20, s12  }
0x192: {  	[hbm4b:s26+s3] =	stream.linear.scatter [tilespmem:s25], [sflag:$0x1], $0x80, $0x38;
	[tilespmem:$0x4400] =	vst v63  }
0x193: {  	s28 =	sor.u32 $0x3800, s13;
	s29 =	sadd.s32 $0xEA0, s12  }
0x194: {  	[hbm4b:s29+s3] =	stream.linear.scatter [tilespmem:s28], [sflag:$0x1], $0x80, $0x38;
	[tilespmem:$0x4400] =	vst v63  }
0x195: {  	s30 =	sor.u32 $0x3C00, s13;
	s31 =	sadd.s32 $0xF20, s12  }
0x196: {  	[hbm4b:s31+s3] =	stream.linear.scatter [tilespmem:s30], [sflag:$0x1], $0x80, $0x38;
	[tilespmem:$0x4400] =	vst v63  }
0x197: {  	s13 =	sadd.s32 $0x4000, s13;
	s15 =	sadd.s32 $0xFA0, s12;
	s16 =	spop (v2sf)  }
0x198: {  	[hbm4b:s15+s3] =	stream.linear.scatter [tilespmem:s13], [sflag:$0x1], $0x80, $0x38;
	[tilespmem:$0x4400] =	vst v63  }
0x199: {  	s17 =	sshll.u32 s16, $0xB;
	s13 =	sshll.u32 s16, $0x7  }
0x19a: {  	s14 =	sand.u32 $0xFFFFC000, s17;
	s13 =	sand.u32 $0x380, s13  }
0x19b: {  	s13 =	sor.u32 s13, s14  }
0x19c: {  	s18 =	sadd.s32 $0x830, s12;
	s14 =	sor.u32 $0x400, s13  }
0x19d: {  	[hbm4b:s18+s3] =	stream.linear.scatter [tilespmem:s14], [sflag:$0x1], $0x80, $0x38;
	[tilespmem:$0x4400] =	vst v63  }
0x19e: {  	s20 =	sadd.s32 $0x8B0, s12;
	s19 =	sor.u32 $0x800, s13  }
0x19f: {  	[hbm4b:s20+s3] =	stream.linear.scatter [tilespmem:s19], [sflag:$0x1], $0x80, $0x38;
	[tilespmem:$0x4400] =	vst v63  }
0x1a0: {  	s22 =	sadd.s32 $0x930, s12;
	s21 =	sor.u32 $0xC00, s13  }
0x1a1: {  	[hbm4b:s22+s3] =	stream.linear.scatter [tilespmem:s21], [sflag:$0x1], $0x80, $0x38;
	[tilespmem:$0x4400] =	vst v63  }
0x1a2: {  	s24 =	sadd.s32 $0x9B0, s12;
	s23 =	sor.u32 $0x1000, s13  }
0x1a3: {  	[hbm4b:s24+s3] =	stream.linear.scatter [tilespmem:s23], [sflag:$0x1], $0x80, $0x38;
	[tilespmem:$0x4400] =	vst v63  }
0x1a4: {  	s26 =	sadd.s32 $0xA30, s12;
	s25 =	sor.u32 $0x1400, s13  }
0x1a5: {  	[hbm4b:s26+s3] =	stream.linear.scatter [tilespmem:s25], [sflag:$0x1], $0x80, $0x38;
	[tilespmem:$0x4400] =	vst v63  }
0x1a6: {  	s29 =	sadd.s32 $0xAB0, s12;
	s28 =	sor.u32 $0x1800, s13  }
0x1a7: {  	[hbm4b:s29+s3] =	stream.linear.scatter [tilespmem:s28], [sflag:$0x1], $0x80, $0x38;
	[tilespmem:$0x4400] =	vst v63  }
0x1a8: {  	s31 =	sadd.s32 $0xB30, s12;
	s30 =	sor.u32 $0x1C00, s13  }
0x1a9: {  	[hbm4b:s31+s3] =	stream.linear.scatter [tilespmem:s30], [sflag:$0x1], $0x80, $0x38;
	[tilespmem:$0x4400] =	vst v63  }
0x1aa: {  	s16 =	sadd.s32 $0xBB0, s12;
	s15 =	sor.u32 $0x2000, s13  }
0x1ab: {  	(v2sf) =	vpush v0, $0xC;
	[hbm4b:s16+s3] =	stream.linear.scatter [tilespmem:s15], [sflag:$0x1], $0x80, $0x38;
	[tilespmem:$0x4400] =	vst v63  }
0x1ac: {  	s17 =	sor.u32 $0x2400, s13;
	s18 =	sadd.s32 $0xC30, s12  }
0x1ad: {  	[hbm4b:s18+s3] =	stream.linear.scatter [tilespmem:s17], [sflag:$0x1], $0x80, $0x38;
	[tilespmem:$0x4400] =	vst v63  }
0x1ae: {  	s19 =	sor.u32 $0x2800, s13;
	s20 =	sadd.s32 $0xCB0, s12  }
0x1af: {  	[hbm4b:s20+s3] =	stream.linear.scatter [tilespmem:s19], [sflag:$0x1], $0x80, $0x38;
	[tilespmem:$0x4400] =	vst v63  }
0x1b0: {  	s21 =	sor.u32 $0x2C00, s13;
	s22 =	sadd.s32 $0xD30, s12  }
0x1b1: {  	[hbm4b:s22+s3] =	stream.linear.scatter [tilespmem:s21], [sflag:$0x1], $0x80, $0x38;
	[tilespmem:$0x4400] =	vst v63  }
0x1b2: {  	s23 =	sor.u32 $0x3000, s13;
	s24 =	sadd.s32 $0xDB0, s12  }
0x1b3: {  	[hbm4b:s24+s3] =	stream.linear.scatter [tilespmem:s23], [sflag:$0x1], $0x80, $0x38;
	[tilespmem:$0x4400] =	vst v63  }
0x1b4: {  	s25 =	sor.u32 $0x3400, s13;
	s26 =	sadd.s32 $0xE30, s12  }
0x1b5: {  	[hbm4b:s26+s3] =	stream.linear.scatter [tilespmem:s25], [sflag:$0x1], $0x80, $0x38;
	[tilespmem:$0x4400] =	vst v63  }
0x1b6: {  	s28 =	sor.u32 $0x3800, s13;
	s29 =	sadd.s32 $0xEB0, s12  }
0x1b7: {  	[hbm4b:s29+s3] =	stream.linear.scatter [tilespmem:s28], [sflag:$0x1], $0x80, $0x38;
	[tilespmem:$0x4400] =	vst v63  }
0x1b8: {  	s30 =	sor.u32 $0x3C00, s13;
	s31 =	sadd.s32 $0xF30, s12  }
0x1b9: {  	[hbm4b:s31+s3] =	stream.linear.scatter [tilespmem:s30], [sflag:$0x1], $0x80, $0x38;
	[tilespmem:$0x4400] =	vst v63  }
0x1ba: {  	s13 =	sadd.s32 $0x4000, s13;
	s15 =	sadd.s32 $0xFB0, s12;
	s16 =	spop (v2sf)  }
0x1bb: {  	[hbm4b:s15+s3] =	stream.linear.scatter [tilespmem:s13], [sflag:$0x1], $0x80, $0x38;
	[tilespmem:$0x4400] =	vst v63  }
0x1bc: {  	s17 =	sshll.u32 s16, $0xB;
	s13 =	sshll.u32 s16, $0x7  }
0x1bd: {  	s14 =	sand.u32 $0xFFFFC000, s17;
	s13 =	sand.u32 $0x380, s13  }
0x1be: {  	s13 =	sor.u32 s13, s14  }
0x1bf: {  	s18 =	sadd.s32 $0x840, s12;
	s14 =	sor.u32 $0x400, s13  }
0x1c0: {  	[hbm4b:s18+s3] =	stream.linear.scatter [tilespmem:s14], [sflag:$0x1], $0x80, $0x38;
	[tilespmem:$0x4400] =	vst v63  }
0x1c1: {  	s20 =	sadd.s32 $0x8C0, s12;
	s19 =	sor.u32 $0x800, s13  }
0x1c2: {  	[hbm4b:s20+s3] =	stream.linear.scatter [tilespmem:s19], [sflag:$0x1], $0x80, $0x38;
	[tilespmem:$0x4400] =	vst v63  }
0x1c3: {  	s22 =	sadd.s32 $0x940, s12;
	s21 =	sor.u32 $0xC00, s13  }
0x1c4: {  	[hbm4b:s22+s3] =	stream.linear.scatter [tilespmem:s21], [sflag:$0x1], $0x80, $0x38;
	[tilespmem:$0x4400] =	vst v63  }
0x1c5: {  	s24 =	sadd.s32 $0x9C0, s12;
	s23 =	sor.u32 $0x1000, s13  }
0x1c6: {  	[hbm4b:s24+s3] =	stream.linear.scatter [tilespmem:s23], [sflag:$0x1], $0x80, $0x38;
	[tilespmem:$0x4400] =	vst v63  }
0x1c7: {  	s26 =	sadd.s32 $0xA40, s12;
	s25 =	sor.u32 $0x1400, s13  }
0x1c8: {  	[hbm4b:s26+s3] =	stream.linear.scatter [tilespmem:s25], [sflag:$0x1], $0x80, $0x38;
	[tilespmem:$0x4400] =	vst v63  }
0x1c9: {  	s29 =	sadd.s32 $0xAC0, s12;
	s28 =	sor.u32 $0x1800, s13  }
0x1ca: {  	[hbm4b:s29+s3] =	stream.linear.scatter [tilespmem:s28], [sflag:$0x1], $0x80, $0x38;
	[tilespmem:$0x4400] =	vst v63  }
0x1cb: {  	s31 =	sadd.s32 $0xB40, s12;
	s30 =	sor.u32 $0x1C00, s13  }
0x1cc: {  	[hbm4b:s31+s3] =	stream.linear.scatter [tilespmem:s30], [sflag:$0x1], $0x80, $0x38;
	[tilespmem:$0x4400] =	vst v63  }
0x1cd: {  	s16 =	sadd.s32 $0xBC0, s12;
	s15 =	sor.u32 $0x2000, s13  }
0x1ce: {  	(v2sf) =	vpush v0, $0xD;
	[hbm4b:s16+s3] =	stream.linear.scatter [tilespmem:s15], [sflag:$0x1], $0x80, $0x38;
	[tilespmem:$0x4400] =	vst v63  }
0x1cf: {  	s17 =	sor.u32 $0x2400, s13;
	s18 =	sadd.s32 $0xC40, s12  }
0x1d0: {  	[hbm4b:s18+s3] =	stream.linear.scatter [tilespmem:s17], [sflag:$0x1], $0x80, $0x38;
	[tilespmem:$0x4400] =	vst v63  }
0x1d1: {  	s19 =	sor.u32 $0x2800, s13;
	s20 =	sadd.s32 $0xCC0, s12  }
0x1d2: {  	[hbm4b:s20+s3] =	stream.linear.scatter [tilespmem:s19], [sflag:$0x1], $0x80, $0x38;
	[tilespmem:$0x4400] =	vst v63  }
0x1d3: {  	s21 =	sor.u32 $0x2C00, s13;
	s22 =	sadd.s32 $0xD40, s12  }
0x1d4: {  	[hbm4b:s22+s3] =	stream.linear.scatter [tilespmem:s21], [sflag:$0x1], $0x80, $0x38;
	[tilespmem:$0x4400] =	vst v63  }
0x1d5: {  	s23 =	sor.u32 $0x3000, s13;
	s24 =	sadd.s32 $0xDC0, s12  }
0x1d6: {  	[hbm4b:s24+s3] =	stream.linear.scatter [tilespmem:s23], [sflag:$0x1], $0x80, $0x38;
	[tilespmem:$0x4400] =	vst v63  }
0x1d7: {  	s25 =	sor.u32 $0x3400, s13;
	s26 =	sadd.s32 $0xE40, s12  }
0x1d8: {  	[hbm4b:s26+s3] =	stream.linear.scatter [tilespmem:s25], [sflag:$0x1], $0x80, $0x38;
	[tilespmem:$0x4400] =	vst v63  }
0x1d9: {  	s28 =	sor.u32 $0x3800, s13;
	s29 =	sadd.s32 $0xEC0, s12  }
0x1da: {  	[hbm4b:s29+s3] =	stream.linear.scatter [tilespmem:s28], [sflag:$0x1], $0x80, $0x38;
	[tilespmem:$0x4400] =	vst v63  }
0x1db: {  	s30 =	sor.u32 $0x3C00, s13;
	s31 =	sadd.s32 $0xF40, s12  }
0x1dc: {  	[hbm4b:s31+s3] =	stream.linear.scatter [tilespmem:s30], [sflag:$0x1], $0x80, $0x38;
	[tilespmem:$0x4400] =	vst v63  }
0x1dd: {  	s13 =	sadd.s32 $0x4000, s13;
	s15 =	sadd.s32 $0xFC0, s12;
	s16 =	spop (v2sf)  }
0x1de: {  	[hbm4b:s15+s3] =	stream.linear.scatter [tilespmem:s13], [sflag:$0x1], $0x80, $0x38;
	[tilespmem:$0x4400] =	vst v63  }
0x1df: {  	s17 =	sshll.u32 s16, $0xB;
	s13 =	sshll.u32 s16, $0x7  }
0x1e0: {  	s14 =	sand.u32 $0xFFFFC000, s17;
	s13 =	sand.u32 $0x380, s13  }
0x1e1: {  	s13 =	sor.u32 s13, s14  }
0x1e2: {  	s18 =	sadd.s32 $0x850, s12;
	s14 =	sor.u32 $0x400, s13  }
0x1e3: {  	[hbm4b:s18+s3] =	stream.linear.scatter [tilespmem:s14], [sflag:$0x1], $0x80, $0x38;
	[tilespmem:$0x4400] =	vst v63  }
0x1e4: {  	s20 =	sadd.s32 $0x8D0, s12;
	s19 =	sor.u32 $0x800, s13  }
0x1e5: {  	[hbm4b:s20+s3] =	stream.linear.scatter [tilespmem:s19], [sflag:$0x1], $0x80, $0x38;
	[tilespmem:$0x4400] =	vst v63  }
0x1e6: {  	s22 =	sadd.s32 $0x950, s12;
	s21 =	sor.u32 $0xC00, s13  }
0x1e7: {  	[hbm4b:s22+s3] =	stream.linear.scatter [tilespmem:s21], [sflag:$0x1], $0x80, $0x38;
	[tilespmem:$0x4400] =	vst v63  }
0x1e8: {  	s24 =	sadd.s32 $0x9D0, s12;
	s23 =	sor.u32 $0x1000, s13  }
0x1e9: {  	[hbm4b:s24+s3] =	stream.linear.scatter [tilespmem:s23], [sflag:$0x1], $0x80, $0x38;
	[tilespmem:$0x4400] =	vst v63  }
0x1ea: {  	s26 =	sadd.s32 $0xA50, s12;
	s25 =	sor.u32 $0x1400, s13  }
0x1eb: {  	[hbm4b:s26+s3] =	stream.linear.scatter [tilespmem:s25], [sflag:$0x1], $0x80, $0x38;
	[tilespmem:$0x4400] =	vst v63  }
0x1ec: {  	s29 =	sadd.s32 $0xAD0, s12;
	s28 =	sor.u32 $0x1800, s13  }
0x1ed: {  	[hbm4b:s29+s3] =	stream.linear.scatter [tilespmem:s28], [sflag:$0x1], $0x80, $0x38;
	[tilespmem:$0x4400] =	vst v63  }
0x1ee: {  	s31 =	sadd.s32 $0xB50, s12;
	s30 =	sor.u32 $0x1C00, s13  }
0x1ef: {  	[hbm4b:s31+s3] =	stream.linear.scatter [tilespmem:s30], [sflag:$0x1], $0x80, $0x38;
	[tilespmem:$0x4400] =	vst v63  }
0x1f0: {  	s16 =	sadd.s32 $0xBD0, s12;
	s15 =	sor.u32 $0x2000, s13  }
0x1f1: {  	(v2sf) =	vpush v0, $0xE;
	[hbm4b:s16+s3] =	stream.linear.scatter [tilespmem:s15], [sflag:$0x1], $0x80, $0x38;
	[tilespmem:$0x4400] =	vst v63  }
0x1f2: {  	s17 =	sor.u32 $0x2400, s13;
	s18 =	sadd.s32 $0xC50, s12  }
0x1f3: {  	[hbm4b:s18+s3] =	stream.linear.scatter [tilespmem:s17], [sflag:$0x1], $0x80, $0x38;
	[tilespmem:$0x4400] =	vst v63  }
0x1f4: {  	s19 =	sor.u32 $0x2800, s13;
	s20 =	sadd.s32 $0xCD0, s12  }
0x1f5: {  	[hbm4b:s20+s3] =	stream.linear.scatter [tilespmem:s19], [sflag:$0x1], $0x80, $0x38;
	[tilespmem:$0x4400] =	vst v63  }
0x1f6: {  	s21 =	sor.u32 $0x2C00, s13;
	s22 =	sadd.s32 $0xD50, s12  }
0x1f7: {  	[hbm4b:s22+s3] =	stream.linear.scatter [tilespmem:s21], [sflag:$0x1], $0x80, $0x38;
	[tilespmem:$0x4400] =	vst v63  }
0x1f8: {  	s23 =	sor.u32 $0x3000, s13;
	s24 =	sadd.s32 $0xDD0, s12  }
0x1f9: {  	[hbm4b:s24+s3] =	stream.linear.scatter [tilespmem:s23], [sflag:$0x1], $0x80, $0x38;
	[tilespmem:$0x4400] =	vst v63  }
0x1fa: {  	s25 =	sor.u32 $0x3400, s13;
	s26 =	sadd.s32 $0xE50, s12  }
0x1fb: {  	[hbm4b:s26+s3] =	stream.linear.scatter [tilespmem:s25], [sflag:$0x1], $0x80, $0x38;
	[tilespmem:$0x4400] =	vst v63  }
0x1fc: {  	s28 =	sor.u32 $0x3800, s13;
	s29 =	sadd.s32 $0xED0, s12  }
0x1fd: {  	[hbm4b:s29+s3] =	stream.linear.scatter [tilespmem:s28], [sflag:$0x1], $0x80, $0x38;
	[tilespmem:$0x4400] =	vst v63  }
0x1fe: {  	s30 =	sor.u32 $0x3C00, s13;
	s31 =	sadd.s32 $0xF50, s12  }
0x1ff: {  	[hbm4b:s31+s3] =	stream.linear.scatter [tilespmem:s30], [sflag:$0x1], $0x80, $0x38;
	[tilespmem:$0x4400] =	vst v63  }
0x200: {  	s13 =	sadd.s32 $0x4000, s13;
	s15 =	sadd.s32 $0xFD0, s12;
	s16 =	spop (v2sf)  }
0x201: {  	[hbm4b:s15+s3] =	stream.linear.scatter [tilespmem:s13], [sflag:$0x1], $0x80, $0x38;
	[tilespmem:$0x4400] =	vst v63  }
0x202: {  	s17 =	sshll.u32 s16, $0xB;
	s13 =	sshll.u32 s16, $0x7  }
0x203: {  	s14 =	sand.u32 $0xFFFFC000, s17;
	s13 =	sand.u32 $0x380, s13  }
0x204: {  	s13 =	sor.u32 s13, s14  }
0x205: {  	s18 =	sadd.s32 $0x860, s12;
	s14 =	sor.u32 $0x400, s13  }
0x206: {  	[hbm4b:s18+s3] =	stream.linear.scatter [tilespmem:s14], [sflag:$0x1], $0x80, $0x38;
	[tilespmem:$0x4400] =	vst v63  }
0x207: {  	s20 =	sadd.s32 $0x8E0, s12;
	s19 =	sor.u32 $0x800, s13  }
0x208: {  	[hbm4b:s20+s3] =	stream.linear.scatter [tilespmem:s19], [sflag:$0x1], $0x80, $0x38;
	[tilespmem:$0x4400] =	vst v63  }
0x209: {  	s22 =	sadd.s32 $0x960, s12;
	s21 =	sor.u32 $0xC00, s13  }
0x20a: {  	[hbm4b:s22+s3] =	stream.linear.scatter [tilespmem:s21], [sflag:$0x1], $0x80, $0x38;
	[tilespmem:$0x4400] =	vst v63  }
0x20b: {  	s24 =	sadd.s32 $0x9E0, s12;
	s23 =	sor.u32 $0x1000, s13  }
0x20c: {  	[hbm4b:s24+s3] =	stream.linear.scatter [tilespmem:s23], [sflag:$0x1], $0x80, $0x38;
	[tilespmem:$0x4400] =	vst v63  }
0x20d: {  	s26 =	sadd.s32 $0xA60, s12;
	s25 =	sor.u32 $0x1400, s13  }
0x20e: {  	[hbm4b:s26+s3] =	stream.linear.scatter [tilespmem:s25], [sflag:$0x1], $0x80, $0x38;
	[tilespmem:$0x4400] =	vst v63  }
0x20f: {  	s29 =	sadd.s32 $0xAE0, s12;
	s28 =	sor.u32 $0x1800, s13  }
0x210: {  	[hbm4b:s29+s3] =	stream.linear.scatter [tilespmem:s28], [sflag:$0x1], $0x80, $0x38;
	[tilespmem:$0x4400] =	vst v63  }
0x211: {  	s31 =	sadd.s32 $0xB60, s12;
	s30 =	sor.u32 $0x1C00, s13  }
0x212: {  	[hbm4b:s31+s3] =	stream.linear.scatter [tilespmem:s30], [sflag:$0x1], $0x80, $0x38;
	[tilespmem:$0x4400] =	vst v63  }
0x213: {  	s16 =	sadd.s32 $0xBE0, s12;
	s15 =	sor.u32 $0x2000, s13  }
0x214: {  	(v2sf) =	vpush v0, $0xF;
	[hbm4b:s16+s3] =	stream.linear.scatter [tilespmem:s15], [sflag:$0x1], $0x80, $0x38;
	[tilespmem:$0x4400] =	vst v63  }
0x215: {  	s17 =	sor.u32 $0x2400, s13;
	s18 =	sadd.s32 $0xC60, s12  }
0x216: {  	[hbm4b:s18+s3] =	stream.linear.scatter [tilespmem:s17], [sflag:$0x1], $0x80, $0x38;
	[tilespmem:$0x4400] =	vst v63  }
0x217: {  	s19 =	sor.u32 $0x2800, s13;
	s20 =	sadd.s32 $0xCE0, s12  }
0x218: {  	[hbm4b:s20+s3] =	stream.linear.scatter [tilespmem:s19], [sflag:$0x1], $0x80, $0x38;
	[tilespmem:$0x4400] =	vst v63  }
0x219: {  	s21 =	sor.u32 $0x2C00, s13;
	s22 =	sadd.s32 $0xD60, s12  }
0x21a: {  	[hbm4b:s22+s3] =	stream.linear.scatter [tilespmem:s21], [sflag:$0x1], $0x80, $0x38;
	[tilespmem:$0x4400] =	vst v63  }
0x21b: {  	s23 =	sor.u32 $0x3000, s13;
	s24 =	sadd.s32 $0xDE0, s12  }
0x21c: {  	[hbm4b:s24+s3] =	stream.linear.scatter [tilespmem:s23], [sflag:$0x1], $0x80, $0x38;
	[tilespmem:$0x4400] =	vst v63  }
0x21d: {  	s25 =	sor.u32 $0x3400, s13;
	s26 =	sadd.s32 $0xE60, s12  }
0x21e: {  	[hbm4b:s26+s3] =	stream.linear.scatter [tilespmem:s25], [sflag:$0x1], $0x80, $0x38;
	[tilespmem:$0x4400] =	vst v63  }
0x21f: {  	s28 =	sor.u32 $0x3800, s13;
	s29 =	sadd.s32 $0xEE0, s12  }
0x220: {  	[hbm4b:s29+s3] =	stream.linear.scatter [tilespmem:s28], [sflag:$0x1], $0x80, $0x38;
	[tilespmem:$0x4400] =	vst v63  }
0x221: {  	s30 =	sor.u32 $0x3C00, s13;
	s31 =	sadd.s32 $0xF60, s12  }
0x222: {  	[hbm4b:s31+s3] =	stream.linear.scatter [tilespmem:s30], [sflag:$0x1], $0x80, $0x38;
	[tilespmem:$0x4400] =	vst v63  }
0x223: {  	s13 =	sadd.s32 $0x4000, s13;
	s15 =	sadd.s32 $0xFE0, s12;
	s16 =	spop (v2sf)  }
0x224: {  	[hbm4b:s15+s3] =	stream.linear.scatter [tilespmem:s13], [sflag:$0x1], $0x80, $0x38;
	[tilespmem:$0x4400] =	vst v63  }
0x225: {  	s17 =	sshll.u32 s16, $0xB;
	s13 =	sshll.u32 s16, $0x7  }
0x226: {  	s14 =	sand.u32 $0xFFFFC000, s17;
	s13 =	sand.u32 $0x380, s13  }
0x227: {  	s13 =	sor.u32 s13, s14  }
0x228: {  	s18 =	sadd.s32 $0x870, s12;
	s14 =	sor.u32 $0x400, s13  }
0x229: {  	[hbm4b:s18+s3] =	stream.linear.scatter [tilespmem:s14], [sflag:$0x1], $0x80, $0x38;
	[tilespmem:$0x4400] =	vst v63  }
0x22a: {  	s20 =	sadd.s32 $0x8F0, s12;
	s19 =	sor.u32 $0x800, s13  }
0x22b: {  	[hbm4b:s20+s3] =	stream.linear.scatter [tilespmem:s19], [sflag:$0x1], $0x80, $0x38;
	[tilespmem:$0x4400] =	vst v63  }
0x22c: {  	s22 =	sadd.s32 $0x970, s12;
	s21 =	sor.u32 $0xC00, s13  }
0x22d: {  	[hbm4b:s22+s3] =	stream.linear.scatter [tilespmem:s21], [sflag:$0x1], $0x80, $0x38;
	[tilespmem:$0x4400] =	vst v63  }
0x22e: {  	s24 =	sadd.s32 $0x9F0, s12;
	s23 =	sor.u32 $0x1000, s13  }
0x22f: {  	[hbm4b:s24+s3] =	stream.linear.scatter [tilespmem:s23], [sflag:$0x1], $0x80, $0x38;
	[tilespmem:$0x4400] =	vst v63  }
0x230: {  	s26 =	sadd.s32 $0xA70, s12;
	s25 =	sor.u32 $0x1400, s13  }
0x231: {  	[hbm4b:s26+s3] =	stream.linear.scatter [tilespmem:s25], [sflag:$0x1], $0x80, $0x38;
	[tilespmem:$0x4400] =	vst v63  }
0x232: {  	s29 =	sadd.s32 $0xAF0, s12;
	s28 =	sor.u32 $0x1800, s13  }
0x233: {  	[hbm4b:s29+s3] =	stream.linear.scatter [tilespmem:s28], [sflag:$0x1], $0x80, $0x38;
	[tilespmem:$0x4400] =	vst v63  }
0x234: {  	s31 =	sadd.s32 $0xB70, s12;
	s30 =	sor.u32 $0x1C00, s13  }
0x235: {  	[hbm4b:s31+s3] =	stream.linear.scatter [tilespmem:s30], [sflag:$0x1], $0x80, $0x38;
	[tilespmem:$0x4400] =	vst v63  }
0x236: {  	s16 =	sadd.s32 $0xBF0, s12;
	s15 =	sor.u32 $0x2000, s13  }
0x237: {  	[hbm4b:s16+s3] =	stream.linear.scatter [tilespmem:s15], [sflag:$0x1], $0x80, $0x38;
	[tilespmem:$0x4400] =	vst v63  }
0x238: {  	s17 =	sor.u32 $0x2400, s13;
	s18 =	sadd.s32 $0xC70, s12  }
0x239: {  	[hbm4b:s18+s3] =	stream.linear.scatter [tilespmem:s17], [sflag:$0x1], $0x80, $0x38;
	[tilespmem:$0x4400] =	vst v63  }
0x23a: {  	s19 =	sor.u32 $0x2800, s13;
	s20 =	sadd.s32 $0xCF0, s12  }
0x23b: {  	[hbm4b:s20+s3] =	stream.linear.scatter [tilespmem:s19], [sflag:$0x1], $0x80, $0x38;
	[tilespmem:$0x4400] =	vst v63  }
0x23c: {  	s21 =	sor.u32 $0x2C00, s13;
	s22 =	sadd.s32 $0xD70, s12  }
0x23d: {  	[hbm4b:s22+s3] =	stream.linear.scatter [tilespmem:s21], [sflag:$0x1], $0x80, $0x38;
	[tilespmem:$0x4400] =	vst v63  }
0x23e: {  	s23 =	sor.u32 $0x3000, s13;
	s24 =	sadd.s32 $0xDF0, s12  }
0x23f: {  	[hbm4b:s24+s3] =	stream.linear.scatter [tilespmem:s23], [sflag:$0x1], $0x80, $0x38;
	[tilespmem:$0x4400] =	vst v63  }
0x240: {  	s25 =	sor.u32 $0x3400, s13;
	s26 =	sadd.s32 $0xE70, s12  }
0x241: {  	[hbm4b:s26+s3] =	stream.linear.scatter [tilespmem:s25], [sflag:$0x1], $0x80, $0x38;
	[tilespmem:$0x4400] =	vst v63  }
0x242: {  	p0 =	seq.s32 s11, $0x0;
	s28 =	sor.u32 $0x3800, s13;
	s29 =	sadd.s32 $0xEF0, s12  }
0x243: {  	[hbm4b:s29+s3] =	stream.linear.scatter [tilespmem:s28], [sflag:$0x1], $0x80, $0x38;
	[tilespmem:$0x4400] =	vst v63  }
0x244: {  	s11 =	sadd.s32 $0x1000, s11;
	s30 =	sor.u32 $0x3C00, s13;
	s31 =	sadd.s32 $0xF70, s12  }
0x245: {  	[hbm4b:s31+s3] =	stream.linear.scatter [tilespmem:s30], [sflag:$0x1], $0x80, $0x38;
	[tilespmem:$0x4400] =	vst v63  }
0x246: {  	p1 =	sne.s32 s11, $0x40000;
	s13 =	sadd.s32 $0x4000, s13;
	s12 =	sadd.s32 $0xFF0, s12  }
0x247: {  	[hbm4b:s12+s3] =	stream.linear.scatter [tilespmem:s13], [sflag:$0x1], $0x80, $0x38;
	[tilespmem:$0x4400] =	vst v63  }
.Ltmp0:
0x248: {  	_ = 	snop;
	(pc) =	sbr.rel @p1 .LBB2_2-.Ltmp0, $4  }
0x249: {  	s12 =	simm.s32 @!p0 $0x1  }
0x24a: {  	_ =	swait.ge @!p0 [sflag:s12], $0x1000  }
0x24b: {  	[sflag:s12] =	ssyncset.done @!p0 $0x0  }
0x24c: {  	s10 =	sadd.s32 $0x10, s10;
	[sflag:s12] =	ssyncadd.s32 @!p0 $0xFFFFF000  }
0x24d: {  	s9 =	sadd.s32 $0x1, s9  }
0x24e: {  	p0 =	sne.s32 s9, s5  }
.Ltmp1:
0x24f: {  	_ = 	snop;
	(pc) =	sbr.rel @p0 .LBB2_1-.Ltmp1, $4  }
0x250: {  	_ = 	snop  }
0x251: {  	_ =	swait.ge [sflag:s8], $0x1000  }
0x252: {  	[sflag:s8] =	ssyncset.done $0x0  }
0x253: {  	[sflag:s8] =	ssyncadd.s32 $0xFFFFF000  }
0x254: {  	_ =	sfence.sel $0x180000  }
0x255: {  	[bflag:$0x0] =	sbarrier.arrive $0xFFFF  }
0x256: {  	p0 =	sne.s32 s1, $0x0;
	_ =	strace $0x90000047  }
0x257: {  	s0 =	sadd.s32 @!p0 $0x100000, s0;
	[bflag:$0x2] =	sbarrier.arrive $0xFFFF  }
0x258: {  	[sflag:s0] =	ssyncadd.tile.s32 @!p0 $0x1;
	_ =	shalt  }
.Lfunc_end2:
_tile_overlayer_lowered:
.L_overlay_start_2:
0x259: {  	(tag) =	ssettag $0x2  }
0x25a: {  	s0 =	rddreg [dreg:$0x0];
	s2 =	stileid.u32  }
0x25b: {  	s1 =	rddreg [dreg:$0x1];
	p0 =	sne.s32 s2, $0x0  }
0x25c: {  	s3 =	rddreg [dreg:$0x2];
	[bflag:$0x3] =	sbarrier.arrive $0xFFFF;
	s2 =	simm.s32 @!p0 $0x1C02  }
0x25d: {  	[timem:s3], [sflag:s2] =	dma.local @!p0 [hbm:s0], s1  }
0x25e: {  	s0 =	simm.s32 @!p0 $0x2  }
0x25f: {  	_ =	swait.ge @!p0 [sflag:s0], s1  }
0x260: {  	s1 =	ssub.s32 @!p0 $0x0, s1;
	[sflag:s0] =	ssyncset.done @!p0 $0x0  }
0x261: {  	[sflag:s0] =	ssyncadd.s32 @!p0 s1  }
0x262: {  	[bflag:$0x3] =	sbarrier.arrive $0xFFFF  }
0x263: {  	_ =	shalt  }

</sc_bundles>
